<compile_context>
chip_gen: v7x
topology: tpu7x:2x2x1
jax: 0.10.2.dev20260603
libtpu: 0.0.44.dev20260713+nightly
codegen_flags: <defaults>
</compile_context>

<pallas_src>
import functools

import jax
import jax.numpy as jnp
from jax import lax
from jax.experimental import pallas as pl
from jax.experimental.pallas import tpu as pltpu
from jax.experimental.pallas import tpu_sc as plsc

HIDDEN = 64

NC = 2
NS = 16
NW = NC * NS
CHUNK = 125
NCH = 250
ROWS_W = NCH * CHUNK
N_TOTAL = NW * ROWS_W
NBUF = 10
LOOKAHEAD = 5

HB = 4096
WIN = 2 * HB
NWIN = N_TOTAL // WIN
TAIL0 = NWIN * WIN
TAILW = N_TOTAL - TAIL0
TAILH = TAILW // 2


def _cdot(a_t, w, bias):
    return (
        jax.lax.dot_general(
            a_t, w, (((0,), (0,)), ((), ())),
            preferred_element_type=jnp.float32,
        )
        + bias
    )


def _transform_body(l_ref, r_ref, tail_ref, w_ref, b_ref, out_ref):
    i = pl.program_id(0)
    w = w_ref[...]
    bias = b_ref[...]

    @pl.when(i < NWIN)
    def _main():
        out_ref[:, :HIDDEN] = _cdot(l_ref[...], w, bias)
        out_ref[:, HIDDEN:] = _cdot(r_ref[...], w, bias)

    @pl.when(i == NWIN)
    def _tail():
        c = (
            jnp.dot(tail_ref[...], w, preferred_element_type=jnp.float32)
            + bias
        )
        out_ref[0:TAILH, :HIDDEN] = c[0:TAILH]
        out_ref[0:TAILH, HIDDEN:] = c[TAILH:TAILW]


def _transform_table(node_emb, W, b):
    n = node_emb.shape[0]
    n2 = n // 2
    last = n // HB - 1
    tail = lax.slice(node_emb, (TAIL0, 0), (n, HIDDEN))
    return pl.pallas_call(
        _transform_body,
        grid=(NWIN + 1,),
        in_specs=[
            pl.BlockSpec(
                (HIDDEN, HB), lambda i: (0, jnp.minimum(2 * i, last))),
            pl.BlockSpec(
                (HIDDEN, HB), lambda i: (0, jnp.minimum(2 * i + 1, last))),
            pl.BlockSpec((TAILW, HIDDEN), lambda i: (0, 0)),
            pl.BlockSpec((HIDDEN, HIDDEN), lambda i: (0, 0)),
            pl.BlockSpec((1, HIDDEN), lambda i: (0, 0)),
        ],
        out_specs=pl.BlockSpec((HB, 2 * HIDDEN), lambda i: (i, 0)),
        out_shape=jax.ShapeDtypeStruct((n2, 2 * HIDDEN), jnp.float32),
    )(node_emb.T, node_emb.T, tail, W, b.reshape(1, HIDDEN))


def _gather_body(table_hbm, idx_hbm, out_hbm, idx_v, rows_v, gsem, osem):
    wid = lax.axis_index("s") * NC + lax.axis_index("c")
    pltpu.sync_copy(idx_hbm.at[pl.ds(wid * NCH, NCH)], idx_v)
    row0 = wid * ROWS_W

    def gather(c, b):
        return pltpu.make_async_copy(
            table_hbm.at[idx_v.at[c]], rows_v.at[b], gsem.at[b])

    def outcopy(c, b):
        return pltpu.make_async_copy(
            rows_v.at[b], out_hbm.at[pl.ds(row0 + c * CHUNK, CHUNK)],
            osem.at[b])

    for b in range(LOOKAHEAD):
        gather(b, b).start()

    def outer(o, carry):
        for b in range(NBUF):
            c = o * NBUF + b
            gather(c, b).wait()
            outcopy(c, b).start()
            g = c + LOOKAHEAD
            bg = (b + LOOKAHEAD) % NBUF

            @pl.when(g < NCH)
            def _start_ahead(g=g, bg=bg):
                @pl.when(g >= NBUF)
                def _reuse(g=g, bg=bg):
                    outcopy(g - NBUF, bg).wait()

                gather(g, bg).start()
        return carry

    lax.fori_loop(0, NCH // NBUF, outer, 0)

    for b in range(NBUF):
        outcopy(NCH - NBUF + b, b).wait()


@functools.lru_cache(maxsize=1)
def _make_gather_kernel():
    return pl.kernel(
        _gather_body,
        mesh=plsc.VectorSubcoreMesh(core_axis_name="c", subcore_axis_name="s"),
        compiler_params=pltpu.CompilerParams(use_tc_tiling_on_sc=False),
        out_type=jax.ShapeDtypeStruct((N_TOTAL, HIDDEN), jnp.float32),
        scratch_types=[
            pltpu.VMEM((NCH, CHUNK), jnp.int32),
            pltpu.VMEM((NBUF, CHUNK, HIDDEN), jnp.float32),
            pltpu.SemaphoreType.DMA((NBUF,)),
            pltpu.SemaphoreType.DMA((NBUF,)),
        ],
    )


def _emit_body(x_ref, out_ref):
    i = pl.program_id(0)

    def halves_t(xv):
        eye = jnp.eye(HIDDEN, dtype=jnp.float32)
        lt = jax.lax.dot_general(
            eye, xv[:, :HIDDEN],
            (((1,), (1,)), ((), ())), preferred_element_type=jnp.float32)
        rt = jax.lax.dot_general(
            eye, xv[:, HIDDEN:],
            (((1,), (1,)), ((), ())), preferred_element_type=jnp.float32)
        return lt, rt

    @pl.when(i < NWIN)
    def _main():
        lt, rt = halves_t(x_ref[...])
        out_ref[:, :HB] = lt
        out_ref[:, HB:] = rt

    @pl.when(i == NWIN)
    def _tail():
        lt, rt = halves_t(x_ref[...])
        out_ref[:, 0:TAILH] = lt[:, 0:TAILH]
        out_ref[:, TAILH:TAILW] = rt[:, 0:TAILH]


def _emit_transposed(h):
    return pl.pallas_call(
        _emit_body,
        grid=(NWIN + 1,),
        in_specs=[pl.BlockSpec((HB, 2 * HIDDEN), lambda i: (i, 0))],
        out_specs=pl.BlockSpec((HIDDEN, WIN), lambda i: (0, i)),
        out_shape=jax.ShapeDtypeStruct((HIDDEN, N_TOTAL), jnp.float32),
    )(h.reshape(N_TOTAL // 2, 2 * HIDDEN))


def _slot_permute(v):
    a = v[:TAIL0].reshape(NWIN, 2, HB).transpose(0, 2, 1).reshape(-1)
    t = v[TAIL0:].reshape(2, TAILH).transpose(1, 0).reshape(-1)
    return jnp.concatenate([a, t])


def kernel(x, node_emb, W, b):
    table2 = _transform_table(node_emb, W, b)
    xi = x.astype(jnp.int32)
    t = xi % WIN
    j_main = (xi - t) + 2 * (t % HB) + (t // HB)
    tt = xi - TAIL0
    j_tail = TAIL0 + 2 * (tt % TAILH) + (tt // TAILH)
    idx = jnp.where(xi < TAIL0, j_main, j_tail)
    idx2d = _slot_permute(idx).reshape(NW * NCH, CHUNK)
    h = _make_gather_kernel()(table2.reshape(N_TOTAL, HIDDEN), idx2d)
    return _emit_transposed(h).T

# --- scband reference (transcript-rebuilt; emitter-appended) ---
"""Pipeline reference for scband-node-embedding-wrapper-75514114998754 (READ-ONLY COPY).

The authoritative reference and input builder live on the scoring server;
editing this copy changes nothing except your own understanding.
"""

import jax, jax.numpy as jnp
import numpy as np

NUM_NODES = 1000000
HIDDEN = 64
N_LOOKUPS = 1000000


def setup_inputs(seed: int = 0) -> dict:
    key = jax.random.key(seed)
    k1, k2, k3 = jax.random.split(key, 3)
    x = jax.random.randint(k1, (N_LOOKUPS,), 0, NUM_NODES, dtype=jnp.int64 if jax.config.jax_enable_x64 else jnp.int32)
    node_emb = jax.random.normal(k2, (NUM_NODES, HIDDEN), dtype=jnp.float32) * 0.02
    W = jax.random.normal(k3, (HIDDEN, HIDDEN), dtype=jnp.float32) * 0.05
    b = jnp.zeros((HIDDEN,), dtype=jnp.float32)
    return {"x": x, "node_emb": node_emb, "W": W, "b": b}


def reference(x, node_emb, W, b):
    # NodeEmbeddingWrapper.forward: x is integer node IDs -> embedding lookup
    h = jnp.take(node_emb, x, axis=0)
    # x = x.squeeze()  (no-op for [N, H] with H > 1)
    h = jnp.squeeze(h)
    # self.gnn(x): underlying GNN stand-in is a dense linear layer
    out = h @ W + b
    return out

if __name__ == "__main__":
    import jax
    _d = setup_inputs()
    print(jax.jit(kernel)(*tuple(_d.values())))

</pallas_src>

<mosaic_0001>
#map = affine_map<(d0, d1) -> (0, 0)>
module attributes {stable_mosaic.version = 14 : i64} {
  func.func @_gather_body(%arg0: i32, %arg1: i32, %arg2: memref<1000000x64xf32, #tpu.memory_space<hbm>>, %arg3: memref<8000x125xi32, #tpu.memory_space<hbm>>, %arg4: memref<1000000x64xf32, #tpu.memory_space<hbm>>, %arg5: memref<250x125xi32, #tpu.memory_space<vmem>>, %arg6: memref<10x125x64xf32, #tpu.memory_space<vmem>>, %arg7: memref<10x!tpu.dma_semaphore, #tpu.memory_space<semaphore_mem>>, %arg8: memref<10x!tpu.dma_semaphore, #tpu.memory_space<semaphore_mem>>) attributes {dimension_semantics = [#tpu.dimension_semantics<core_parallel>, #tpu.dimension_semantics<subcore_parallel>], iteration_bounds = array<i64: 2, 16>, scalar_prefetch = 0 : i64, scratch_operands = 4 : i64, tpu.core_type = #tpu.core_type<sc_vector_subcore>, window_params = [{transform_indices = #map}, {transform_indices = #map}, {transform_indices = #map}]} {
    %mul3A = arith.constant 2 : i32
    %mul3A_0 = arith.muli %arg1, %mul3A : i32
    %add3A = arith.addi %mul3A_0, %arg0 : i32
    %mul3A_1 = arith.constant 250 : i32
    %mul3A_2 = arith.muli %add3A, %mul3A_1 : i32
    "tpu.region"() ({
      %run_scoped3A = tpu.sem_alloc : memref<!tpu.dma_semaphore, #tpu.memory_space<semaphore_mem>>
      %dma_start3A_263 = arith.constant 0 : i32
      %dma_start3A_264 = tpu.memref_slice %arg3[%mul3A_2, %dma_start3A_263] : memref<8000x125xi32, #tpu.memory_space<hbm>> -> memref<250x125xi32, #tpu.memory_space<hbm>>
      %dma_start3A_265 = arith.constant 0 : i32
      %dma_start3A_266 = tpu.memref_slice %arg3[%mul3A_2, %dma_start3A_265] : memref<8000x125xi32, #tpu.memory_space<hbm>> -> memref<250x125xi32, #tpu.memory_space<hbm>>
      tpu.enqueue_dma source(%dma_start3A_266 : memref<250x125xi32, #tpu.memory_space<hbm>>) target(%arg5 : memref<250x125xi32, #tpu.memory_space<vmem>>) target_semaphore(%run_scoped3A : memref<!tpu.dma_semaphore, #tpu.memory_space<semaphore_mem>>)
      %dma_wait3A_267 = arith.constant 0 : i32
      %dma_wait3A_268 = tpu.memref_slice %arg3[%mul3A_2, %dma_wait3A_267] : memref<8000x125xi32, #tpu.memory_space<hbm>> -> memref<250x125xi32, #tpu.memory_space<hbm>>
      %dma_wait3A_269 = arith.constant 0 : i32
      %dma_wait3A_270 = tpu.memref_slice %arg3[%mul3A_2, %dma_wait3A_269] : memref<8000x125xi32, #tpu.memory_space<hbm>> -> memref<250x125xi32, #tpu.memory_space<hbm>>
      tpu.wait_dma2 semaphore(%run_scoped3A : memref<!tpu.dma_semaphore, #tpu.memory_space<semaphore_mem>>) src(%dma_wait3A_270 : memref<250x125xi32, #tpu.memory_space<hbm>>) dst(%arg5 : memref<250x125xi32, #tpu.memory_space<vmem>>)
      tpu.yield
    }) : () -> ()
    %mul3A_3 = arith.constant 31250 : i32
    %mul3A_4 = arith.muli %add3A, %mul3A_3 : i32
    %dma_start3A = arith.constant 0 : i32
    %dma_start3A_5 = arith.constant 0 : i32
    %dma_start3A_6 = arith.constant 0 : i32
    %dma_start3A_7 = arith.constant 0 : i32
    %dma_start3A_8 = arith.constant 0 : i32
    %dma_start3A_9 = tpu.memref_slice %arg6[%dma_start3A_5, %dma_start3A_7, %dma_start3A_8] : memref<10x125x64xf32, #tpu.memory_space<vmem>> -> memref<1x125x64xf32, #tpu.memory_space<vmem>>
    %dma_start3A_10 = tpu.memref_squeeze %dma_start3A_9 : memref<1x125x64xf32, #tpu.memory_space<vmem>> -> memref<125x64xf32, #tpu.memory_space<vmem>>
    %dma_start3A_11 = arith.constant 0 : i32
    %dma_start3A_12 = tpu.memref_slice %arg5[%dma_start3A, %dma_start3A_11] : memref<250x125xi32, #tpu.memory_space<vmem>> -> memref<1x125xi32, #tpu.memory_space<vmem>>
    %dma_start3A_13 = tpu.memref_squeeze %dma_start3A_12 : memref<1x125xi32, #tpu.memory_space<vmem>> -> memref<125xi32, #tpu.memory_space<vmem>>
    %dma_start3A_14 = arith.constant 0 : i32
    %dma_start3A_15 = arith.constant 0 : i32
    %dma_start3A_16 = tpu.memref_slice %arg2[%dma_start3A_14, %dma_start3A_15] : memref<1000000x64xf32, #tpu.memory_space<hbm>> -> memref<1000000x64xf32, #tpu.memory_space<hbm>>
    %dma_start3A_17 = tpu.memref_slice %arg7[%dma_start3A_6] : memref<10x!tpu.dma_semaphore, #tpu.memory_space<semaphore_mem>> -> memref<1x!tpu.dma_semaphore, #tpu.memory_space<semaphore_mem>>
    %dma_start3A_18 = tpu.memref_squeeze %dma_start3A_17 : memref<1x!tpu.dma_semaphore, #tpu.memory_space<semaphore_mem>> -> memref<!tpu.dma_semaphore, #tpu.memory_space<semaphore_mem>>
    tpu.enqueue_indirect_dma source(%dma_start3A_16 : memref<1000000x64xf32, #tpu.memory_space<hbm>>) target(%dma_start3A_10 : memref<125x64xf32, #tpu.memory_space<vmem>>) offsets(%dma_start3A_13 : memref<125xi32, #tpu.memory_space<vmem>>) semaphore(%dma_start3A_18 : memref<!tpu.dma_semaphore, #tpu.memory_space<semaphore_mem>>)
    %dma_start3A_19 = arith.constant 1 : i32
    %dma_start3A_20 = arith.constant 1 : i32
    %dma_start3A_21 = arith.constant 1 : i32
    %dma_start3A_22 = arith.constant 0 : i32
    %dma_start3A_23 = arith.constant 0 : i32
    %dma_start3A_24 = tpu.memref_slice %arg6[%dma_start3A_20, %dma_start3A_22, %dma_start3A_23] : memref<10x125x64xf32, #tpu.memory_space<vmem>> -> memref<1x125x64xf32, #tpu.memory_space<vmem>>
    %dma_start3A_25 = tpu.memref_squeeze %dma_start3A_24 : memref<1x125x64xf32, #tpu.memory_space<vmem>> -> memref<125x64xf32, #tpu.memory_space<vmem>>
    %dma_start3A_26 = arith.constant 0 : i32
    %dma_start3A_27 = tpu.memref_slice %arg5[%dma_start3A_19, %dma_start3A_26] : memref<250x125xi32, #tpu.memory_space<vmem>> -> memref<1x125xi32, #tpu.memory_space<vmem>>
    %dma_start3A_28 = tpu.memref_squeeze %dma_start3A_27 : memref<1x125xi32, #tpu.memory_space<vmem>> -> memref<125xi32, #tpu.memory_space<vmem>>
    %dma_start3A_29 = arith.constant 0 : i32
    %dma_start3A_30 = arith.constant 0 : i32
    %dma_start3A_31 = tpu.memref_slice %arg2[%dma_start3A_29, %dma_start3A_30] : memref<1000000x64xf32, #tpu.memory_space<hbm>> -> memref<1000000x64xf32, #tpu.memory_space<hbm>>
    %dma_start3A_32 = tpu.memref_slice %arg7[%dma_start3A_21] : memref<10x!tpu.dma_semaphore, #tpu.memory_space<semaphore_mem>> -> memref<1x!tpu.dma_semaphore, #tpu.memory_space<semaphore_mem>>
    %dma_start3A_33 = tpu.memref_squeeze %dma_start3A_32 : memref<1x!tpu.dma_semaphore, #tpu.memory_space<semaphore_mem>> -> memref<!tpu.dma_semaphore, #tpu.memory_space<semaphore_mem>>
    tpu.enqueue_indirect_dma source(%dma_start3A_31 : memref<1000000x64xf32, #tpu.memory_space<hbm>>) target(%dma_start3A_25 : memref<125x64xf32, #tpu.memory_space<vmem>>) offsets(%dma_start3A_28 : memref<125xi32, #tpu.memory_space<vmem>>) semaphore(%dma_start3A_33 : memref<!tpu.dma_semaphore, #tpu.memory_space<semaphore_mem>>)
    %dma_start3A_34 = arith.constant 2 : i32
    %dma_start3A_35 = arith.constant 2 : i32
    %dma_start3A_36 = arith.constant 2 : i32
    %dma_start3A_37 = arith.constant 0 : i32
    %dma_start3A_38 = arith.constant 0 : i32
    %dma_start3A_39 = tpu.memref_slice %arg6[%dma_start3A_35, %dma_start3A_37, %dma_start3A_38] : memref<10x125x64xf32, #tpu.memory_space<vmem>> -> memref<1x125x64xf32, #tpu.memory_space<vmem>>
    %dma_start3A_40 = tpu.memref_squeeze %dma_start3A_39 : memref<1x125x64xf32, #tpu.memory_space<vmem>> -> memref<125x64xf32, #tpu.memory_space<vmem>>
    %dma_start3A_41 = arith.constant 0 : i32
    %dma_start3A_42 = tpu.memref_slice %arg5[%dma_start3A_34, %dma_start3A_41] : memref<250x125xi32, #tpu.memory_space<vmem>> -> memref<1x125xi32, #tpu.memory_space<vmem>>
    %dma_start3A_43 = tpu.memref_squeeze %dma_start3A_42 : memref<1x125xi32, #tpu.memory_space<vmem>> -> memref<125xi32, #tpu.memory_space<vmem>>
    %dma_start3A_44 = arith.constant 0 : i32
    %dma_start3A_45 = arith.constant 0 : i32
    %dma_start3A_46 = tpu.memref_slice %arg2[%dma_start3A_44, %dma_start3A_45] : memref<1000000x64xf32, #tpu.memory_space<hbm>> -> memref<1000000x64xf32, #tpu.memory_space<hbm>>
    %dma_start3A_47 = tpu.memref_slice %arg7[%dma_start3A_36] : memref<10x!tpu.dma_semaphore, #tpu.memory_space<semaphore_mem>> -> memref<1x!tpu.dma_semaphore, #tpu.memory_space<semaphore_mem>>
    %dma_start3A_48 = tpu.memref_squeeze %dma_start3A_47 : memref<1x!tpu.dma_semaphore, #tpu.memory_space<semaphore_mem>> -> memref<!tpu.dma_semaphore, #tpu.memory_space<semaphore_mem>>
    tpu.enqueue_indirect_dma source(%dma_start3A_46 : memref<1000000x64xf32, #tpu.memory_space<hbm>>) target(%dma_start3A_40 : memref<125x64xf32, #tpu.memory_space<vmem>>) offsets(%dma_start3A_43 : memref<125xi32, #tpu.memory_space<vmem>>) semaphore(%dma_start3A_48 : memref<!tpu.dma_semaphore, #tpu.memory_space<semaphore_mem>>)
    %dma_start3A_49 = arith.constant 3 : i32
    %dma_start3A_50 = arith.constant 3 : i32
    %dma_start3A_51 = arith.constant 3 : i32
    %dma_start3A_52 = arith.constant 0 : i32
    %dma_start3A_53 = arith.constant 0 : i32
    %dma_start3A_54 = tpu.memref_slice %arg6[%dma_start3A_50, %dma_start3A_52, %dma_start3A_53] : memref<10x125x64xf32, #tpu.memory_space<vmem>> -> memref<1x125x64xf32, #tpu.memory_space<vmem>>
    %dma_start3A_55 = tpu.memref_squeeze %dma_start3A_54 : memref<1x125x64xf32, #tpu.memory_space<vmem>> -> memref<125x64xf32, #tpu.memory_space<vmem>>
    %dma_start3A_56 = arith.constant 0 : i32
    %dma_start3A_57 = tpu.memref_slice %arg5[%dma_start3A_49, %dma_start3A_56] : memref<250x125xi32, #tpu.memory_space<vmem>> -> memref<1x125xi32, #tpu.memory_space<vmem>>
    %dma_start3A_58 = tpu.memref_squeeze %dma_start3A_57 : memref<1x125xi32, #tpu.memory_space<vmem>> -> memref<125xi32, #tpu.memory_space<vmem>>
    %dma_start3A_59 = arith.constant 0 : i32
    %dma_start3A_60 = arith.constant 0 : i32
    %dma_start3A_61 = tpu.memref_slice %arg2[%dma_start3A_59, %dma_start3A_60] : memref<1000000x64xf32, #tpu.memory_space<hbm>> -> memref<1000000x64xf32, #tpu.memory_space<hbm>>
    %dma_start3A_62 = tpu.memref_slice %arg7[%dma_start3A_51] : memref<10x!tpu.dma_semaphore, #tpu.memory_space<semaphore_mem>> -> memref<1x!tpu.dma_semaphore, #tpu.memory_space<semaphore_mem>>
    %dma_start3A_63 = tpu.memref_squeeze %dma_start3A_62 : memref<1x!tpu.dma_semaphore, #tpu.memory_space<semaphore_mem>> -> memref<!tpu.dma_semaphore, #tpu.memory_space<semaphore_mem>>
    tpu.enqueue_indirect_dma source(%dma_start3A_61 : memref<1000000x64xf32, #tpu.memory_space<hbm>>) target(%dma_start3A_55 : memref<125x64xf32, #tpu.memory_space<vmem>>) offsets(%dma_start3A_58 : memref<125xi32, #tpu.memory_space<vmem>>) semaphore(%dma_start3A_63 : memref<!tpu.dma_semaphore, #tpu.memory_space<semaphore_mem>>)
    %dma_start3A_64 = arith.constant 4 : i32
    %dma_start3A_65 = arith.constant 4 : i32
    %dma_start3A_66 = arith.constant 4 : i32
    %dma_start3A_67 = arith.constant 0 : i32
    %dma_start3A_68 = arith.constant 0 : i32
    %dma_start3A_69 = tpu.memref_slice %arg6[%dma_start3A_65, %dma_start3A_67, %dma_start3A_68] : memref<10x125x64xf32, #tpu.memory_space<vmem>> -> memref<1x125x64xf32, #tpu.memory_space<vmem>>
    %dma_start3A_70 = tpu.memref_squeeze %dma_start3A_69 : memref<1x125x64xf32, #tpu.memory_space<vmem>> -> memref<125x64xf32, #tpu.memory_space<vmem>>
    %dma_start3A_71 = arith.constant 0 : i32
    %dma_start3A_72 = tpu.memref_slice %arg5[%dma_start3A_64, %dma_start3A_71] : memref<250x125xi32, #tpu.memory_space<vmem>> -> memref<1x125xi32, #tpu.memory_space<vmem>>
    %dma_start3A_73 = tpu.memref_squeeze %dma_start3A_72 : memref<1x125xi32, #tpu.memory_space<vmem>> -> memref<125xi32, #tpu.memory_space<vmem>>
    %dma_start3A_74 = arith.constant 0 : i32
    %dma_start3A_75 = arith.constant 0 : i32
    %dma_start3A_76 = tpu.memref_slice %arg2[%dma_start3A_74, %dma_start3A_75] : memref<1000000x64xf32, #tpu.memory_space<hbm>> -> memref<1000000x64xf32, #tpu.memory_space<hbm>>
    %dma_start3A_77 = tpu.memref_slice %arg7[%dma_start3A_66] : memref<10x!tpu.dma_semaphore, #tpu.memory_space<semaphore_mem>> -> memref<1x!tpu.dma_semaphore, #tpu.memory_space<semaphore_mem>>
    %dma_start3A_78 = tpu.memref_squeeze %dma_start3A_77 : memref<1x!tpu.dma_semaphore, #tpu.memory_space<semaphore_mem>> -> memref<!tpu.dma_semaphore, #tpu.memory_space<semaphore_mem>>
    tpu.enqueue_indirect_dma source(%dma_start3A_76 : memref<1000000x64xf32, #tpu.memory_space<hbm>>) target(%dma_start3A_70 : memref<125x64xf32, #tpu.memory_space<vmem>>) offsets(%dma_start3A_73 : memref<125xi32, #tpu.memory_space<vmem>>) semaphore(%dma_start3A_78 : memref<!tpu.dma_semaphore, #tpu.memory_space<semaphore_mem>>)
    %scan3A = arith.constant 0 : i32
    %scan3A_79 = arith.constant 0 : i32
    %scan3A_80 = arith.constant 25 : i32
    %scan3A_81 = arith.addi %scan3A_79, %scan3A_80 : i32
    %scan3A_82 = arith.constant 1 : i32
    scf.for %scan3A_263 = %scan3A_79 to %scan3A_81 step %scan3A_82  : i32 {
      %mul3A_264 = arith.constant 10 : i32
      %mul3A_265 = arith.muli %scan3A_263, %mul3A_264 : i32
      %add3A_266 = arith.constant 0 : i32
      %add3A_267 = arith.addi %mul3A_265, %add3A_266 : i32
      %dma_wait3A_268 = arith.constant 0 : i32
      %dma_wait3A_269 = arith.constant 0 : i32
      %dma_wait3A_270 = arith.constant 0 : i32
      %dma_wait3A_271 = arith.constant 0 : i32
      %dma_wait3A_272 = tpu.memref_slice %arg6[%dma_wait3A_268, %dma_wait3A_270, %dma_wait3A_271] : memref<10x125x64xf32, #tpu.memory_space<vmem>> -> memref<1x125x64xf32, #tpu.memory_space<vmem>>
      %dma_wait3A_273 = tpu.memref_squeeze %dma_wait3A_272 : memref<1x125x64xf32, #tpu.memory_space<vmem>> -> memref<125x64xf32, #tpu.memory_space<vmem>>
      %dma_wait3A_274 = arith.constant 0 : i32
      %dma_wait3A_275 = tpu.memref_slice %arg5[%add3A_267, %dma_wait3A_274] : memref<250x125xi32, #tpu.memory_space<vmem>> -> memref<1x125xi32, #tpu.memory_space<vmem>>
      %dma_wait3A_276 = tpu.memref_squeeze %dma_wait3A_275 : memref<1x125xi32, #tpu.memory_space<vmem>> -> memref<125xi32, #tpu.memory_space<vmem>>
      %dma_wait3A_277 = arith.constant 0 : i32
      %dma_wait3A_278 = arith.constant 0 : i32
      %dma_wait3A_279 = tpu.memref_slice %arg2[%dma_wait3A_277, %dma_wait3A_278] : memref<1000000x64xf32, #tpu.memory_space<hbm>> -> memref<1000000x64xf32, #tpu.memory_space<hbm>>
      %dma_wait3A_280 = tpu.memref_slice %arg7[%dma_wait3A_269] : memref<10x!tpu.dma_semaphore, #tpu.memory_space<semaphore_mem>> -> memref<1x!tpu.dma_semaphore, #tpu.memory_space<semaphore_mem>>
      %dma_wait3A_281 = tpu.memref_squeeze %dma_wait3A_280 : memref<1x!tpu.dma_semaphore, #tpu.memory_space<semaphore_mem>> -> memref<!tpu.dma_semaphore, #tpu.memory_space<semaphore_mem>>
      tpu.wait_indirect_dma semaphore(%dma_wait3A_281 : memref<!tpu.dma_semaphore, #tpu.memory_space<semaphore_mem>>) src(%dma_wait3A_279 : memref<1000000x64xf32, #tpu.memory_space<hbm>>) dst(%dma_wait3A_273 : memref<125x64xf32, #tpu.memory_space<vmem>>)
      %mul3A_282 = arith.constant 125 : i32
      %mul3A_283 = arith.muli %add3A_267, %mul3A_282 : i32
      %add3A_284 = arith.addi %mul3A_4, %mul3A_283 : i32
      %dma_start3A_285 = arith.constant 0 : i32
      %dma_start3A_286 = arith.constant 0 : i32
      %dma_start3A_287 = arith.constant 0 : i32
      %dma_start3A_288 = arith.constant 0 : i32
      %dma_start3A_289 = tpu.memref_slice %arg6[%dma_start3A_285, %dma_start3A_287, %dma_start3A_288] : memref<10x125x64xf32, #tpu.memory_space<vmem>> -> memref<1x125x64xf32, #tpu.memory_space<vmem>>
      %dma_start3A_290 = tpu.memref_squeeze %dma_start3A_289 : memref<1x125x64xf32, #tpu.memory_space<vmem>> -> memref<125x64xf32, #tpu.memory_space<vmem>>
      %dma_start3A_291 = arith.constant 0 : i32
      %dma_start3A_292 = tpu.memref_slice %arg4[%add3A_284, %dma_start3A_291] : memref<1000000x64xf32, #tpu.memory_space<hbm>> -> memref<125x64xf32, #tpu.memory_space<hbm>>
      %dma_start3A_293 = tpu.memref_slice %arg8[%dma_start3A_286] : memref<10x!tpu.dma_semaphore, #tpu.memory_space<semaphore_mem>> -> memref<1x!tpu.dma_semaphore, #tpu.memory_space<semaphore_mem>>
      %dma_start3A_294 = tpu.memref_squeeze %dma_start3A_293 : memref<1x!tpu.dma_semaphore, #tpu.memory_space<semaphore_mem>> -> memref<!tpu.dma_semaphore, #tpu.memory_space<semaphore_mem>>
      %dma_start3A_295 = arith.constant 0 : i32
      %dma_start3A_296 = tpu.memref_slice %arg4[%add3A_284, %dma_start3A_295] : memref<1000000x64xf32, #tpu.memory_space<hbm>> -> memref<125x64xf32, #tpu.memory_space<hbm>>
      %dma_start3A_297 = arith.constant 0 : i32
      %dma_start3A_298 = arith.constant 0 : i32
      %dma_start3A_299 = tpu.memref_slice %arg6[%dma_start3A_285, %dma_start3A_297, %dma_start3A_298] : memref<10x125x64xf32, #tpu.memory_space<vmem>> -> memref<1x125x64xf32, #tpu.memory_space<vmem>>
      %dma_start3A_300 = tpu.memref_squeeze %dma_start3A_299 : memref<1x125x64xf32, #tpu.memory_space<vmem>> -> memref<125x64xf32, #tpu.memory_space<vmem>>
      tpu.enqueue_dma source(%dma_start3A_300 : memref<125x64xf32, #tpu.memory_space<vmem>>) target(%dma_start3A_296 : memref<125x64xf32, #tpu.memory_space<hbm>>) target_semaphore(%dma_start3A_294 : memref<!tpu.dma_semaphore, #tpu.memory_space<semaphore_mem>>)
      %add3A_301 = arith.constant 5 : i32
      %add3A_302 = arith.addi %add3A_267, %add3A_301 : i32
      %lt3A = arith.constant 250 : i32
      %lt3A_303 = arith.cmpi slt, %add3A_302, %lt3A : i32
      %convert_element_type3A = arith.extui %lt3A_303 : i1 to i32
      %cond3A = arith.constant 0 : i32
      %cond3A_304 = arith.cmpi ne, %convert_element_type3A, %cond3A : i32
      scf.if %cond3A_304 {
        %ge3A = arith.constant 10 : i32
        %ge3A_701 = arith.cmpi sge, %add3A_302, %ge3A : i32
        %convert_element_type3A_702 = arith.extui %ge3A_701 : i1 to i32
        %cond3A_703 = arith.constant 0 : i32
        %cond3A_704 = arith.cmpi ne, %convert_element_type3A_702, %cond3A_703 : i32
        scf.if %cond3A_704 {
          %sub3A = arith.constant 10 : i32
          %sub3A_719 = arith.subi %add3A_302, %sub3A : i32
          %mul3A_720 = arith.constant 125 : i32
          %mul3A_721 = arith.muli %sub3A_719, %mul3A_720 : i32
          %add3A_722 = arith.addi %mul3A_4, %mul3A_721 : i32
          %dma_wait3A_723 = arith.constant 5 : i32
          %dma_wait3A_724 = arith.constant 5 : i32
          %dma_wait3A_725 = arith.constant 0 : i32
          %dma_wait3A_726 = arith.constant 0 : i32
          %dma_wait3A_727 = tpu.memref_slice %arg6[%dma_wait3A_723, %dma_wait3A_725, %dma_wait3A_726] : memref<10x125x64xf32, #tpu.memory_space<vmem>> -> memref<1x125x64xf32, #tpu.memory_space<vmem>>
          %dma_wait3A_728 = tpu.memref_squeeze %dma_wait3A_727 : memref<1x125x64xf32, #tpu.memory_space<vmem>> -> memref<125x64xf32, #tpu.memory_space<vmem>>
          %dma_wait3A_729 = arith.constant 0 : i32
          %dma_wait3A_730 = tpu.memref_slice %arg4[%add3A_722, %dma_wait3A_729] : memref<1000000x64xf32, #tpu.memory_space<hbm>> -> memref<125x64xf32, #tpu.memory_space<hbm>>
          %dma_wait3A_731 = tpu.memref_slice %arg8[%dma_wait3A_724] : memref<10x!tpu.dma_semaphore, #tpu.memory_space<semaphore_mem>> -> memref<1x!tpu.dma_semaphore, #tpu.memory_space<semaphore_mem>>
          %dma_wait3A_732 = tpu.memref_squeeze %dma_wait3A_731 : memref<1x!tpu.dma_semaphore, #tpu.memory_space<semaphore_mem>> -> memref<!tpu.dma_semaphore, #tpu.memory_space<semaphore_mem>>
          %dma_wait3A_733 = arith.constant 0 : i32
          %dma_wait3A_734 = tpu.memref_slice %arg4[%add3A_722, %dma_wait3A_733] : memref<1000000x64xf32, #tpu.memory_space<hbm>> -> memref<125x64xf32, #tpu.memory_space<hbm>>
          %dma_wait3A_735 = arith.constant 0 : i32
          %dma_wait3A_736 = arith.constant 0 : i32
          %dma_wait3A_737 = tpu.memref_slice %arg6[%dma_wait3A_723, %dma_wait3A_735, %dma_wait3A_736] : memref<10x125x64xf32, #tpu.memory_space<vmem>> -> memref<1x125x64xf32, #tpu.memory_space<vmem>>
          %dma_wait3A_738 = tpu.memref_squeeze %dma_wait3A_737 : memref<1x125x64xf32, #tpu.memory_space<vmem>> -> memref<125x64xf32, #tpu.memory_space<vmem>>
          tpu.wait_dma2 semaphore(%dma_wait3A_732 : memref<!tpu.dma_semaphore, #tpu.memory_space<semaphore_mem>>) src(%dma_wait3A_738 : memref<125x64xf32, #tpu.memory_space<vmem>>) dst(%dma_wait3A_734 : memref<125x64xf32, #tpu.memory_space<hbm>>)
        } else {
        }
        %dma_start3A_705 = arith.constant 5 : i32
        %dma_start3A_706 = arith.constant 5 : i32
        %dma_start3A_707 = arith.constant 0 : i32
        %dma_start3A_708 = arith.constant 0 : i32
        %dma_start3A_709 = tpu.memref_slice %arg6[%dma_start3A_705, %dma_start3A_707, %dma_start3A_708] : memref<10x125x64xf32, #tpu.memory_space<vmem>> -> memref<1x125x64xf32, #tpu.memory_space<vmem>>
        %dma_start3A_710 = tpu.memref_squeeze %dma_start3A_709 : memref<1x125x64xf32, #tpu.memory_space<vmem>> -> memref<125x64xf32, #tpu.memory_space<vmem>>
        %dma_start3A_711 = arith.constant 0 : i32
        %dma_start3A_712 = tpu.memref_slice %arg5[%add3A_302, %dma_start3A_711] : memref<250x125xi32, #tpu.memory_space<vmem>> -> memref<1x125xi32, #tpu.memory_space<vmem>>
        %dma_start3A_713 = tpu.memref_squeeze %dma_start3A_712 : memref<1x125xi32, #tpu.memory_space<vmem>> -> memref<125xi32, #tpu.memory_space<vmem>>
        %dma_start3A_714 = arith.constant 0 : i32
        %dma_start3A_715 = arith.constant 0 : i32
        %dma_start3A_716 = tpu.memref_slice %arg2[%dma_start3A_714, %dma_start3A_715] : memref<1000000x64xf32, #tpu.memory_space<hbm>> -> memref<1000000x64xf32, #tpu.memory_space<hbm>>
        %dma_start3A_717 = tpu.memref_slice %arg7[%dma_start3A_706] : memref<10x!tpu.dma_semaphore, #tpu.memory_space<semaphore_mem>> -> memref<1x!tpu.dma_semaphore, #tpu.memory_space<semaphore_mem>>
        %dma_start3A_718 = tpu.memref_squeeze %dma_start3A_717 : memref<1x!tpu.dma_semaphore, #tpu.memory_space<semaphore_mem>> -> memref<!tpu.dma_semaphore, #tpu.memory_space<semaphore_mem>>
        tpu.enqueue_indirect_dma source(%dma_start3A_716 : memref<1000000x64xf32, #tpu.memory_space<hbm>>) target(%dma_start3A_710 : memref<125x64xf32, #tpu.memory_space<vmem>>) offsets(%dma_start3A_713 : memref<125xi32, #tpu.memory_space<vmem>>) semaphore(%dma_start3A_718 : memref<!tpu.dma_semaphore, #tpu.memory_space<semaphore_mem>>)
      } else {
      }
      %mul3A_305 = arith.constant 10 : i32
      %mul3A_306 = arith.muli %scan3A_263, %mul3A_305 : i32
      %add3A_307 = arith.constant 1 : i32
      %add3A_308 = arith.addi %mul3A_306, %add3A_307 : i32
      %dma_wait3A_309 = arith.constant 1 : i32
      %dma_wait3A_310 = arith.constant 1 : i32
      %dma_wait3A_311 = arith.constant 0 : i32
      %dma_wait3A_312 = arith.constant 0 : i32
      %dma_wait3A_313 = tpu.memref_slice %arg6[%dma_wait3A_309, %dma_wait3A_311, %dma_wait3A_312] : memref<10x125x64xf32, #tpu.memory_space<vmem>> -> memref<1x125x64xf32, #tpu.memory_space<vmem>>
      %dma_wait3A_314 = tpu.memref_squeeze %dma_wait3A_313 : memref<1x125x64xf32, #tpu.memory_space<vmem>> -> memref<125x64xf32, #tpu.memory_space<vmem>>
      %dma_wait3A_315 = arith.constant 0 : i32
      %dma_wait3A_316 = tpu.memref_slice %arg5[%add3A_308, %dma_wait3A_315] : memref<250x125xi32, #tpu.memory_space<vmem>> -> memref<1x125xi32, #tpu.memory_space<vmem>>
      %dma_wait3A_317 = tpu.memref_squeeze %dma_wait3A_316 : memref<1x125xi32, #tpu.memory_space<vmem>> -> memref<125xi32, #tpu.memory_space<vmem>>
      %dma_wait3A_318 = arith.constant 0 : i32
      %dma_wait3A_319 = arith.constant 0 : i32
      %dma_wait3A_320 = tpu.memref_slice %arg2[%dma_wait3A_318, %dma_wait3A_319] : memref<1000000x64xf32, #tpu.memory_space<hbm>> -> memref<1000000x64xf32, #tpu.memory_space<hbm>>
      %dma_wait3A_321 = tpu.memref_slice %arg7[%dma_wait3A_310] : memref<10x!tpu.dma_semaphore, #tpu.memory_space<semaphore_mem>> -> memref<1x!tpu.dma_semaphore, #tpu.memory_space<semaphore_mem>>
      %dma_wait3A_322 = tpu.memref_squeeze %dma_wait3A_321 : memref<1x!tpu.dma_semaphore, #tpu.memory_space<semaphore_mem>> -> memref<!tpu.dma_semaphore, #tpu.memory_space<semaphore_mem>>
      tpu.wait_indirect_dma semaphore(%dma_wait3A_322 : memref<!tpu.dma_semaphore, #tpu.memory_space<semaphore_mem>>) src(%dma_wait3A_320 : memref<1000000x64xf32, #tpu.memory_space<hbm>>) dst(%dma_wait3A_314 : memref<125x64xf32, #tpu.memory_space<vmem>>)
      %mul3A_323 = arith.constant 125 : i32
      %mul3A_324 = arith.muli %add3A_308, %mul3A_323 : i32
      %add3A_325 = arith.addi %mul3A_4, %mul3A_324 : i32
      %dma_start3A_326 = arith.constant 1 : i32
      %dma_start3A_327 = arith.constant 1 : i32
      %dma_start3A_328 = arith.constant 0 : i32
      %dma_start3A_329 = arith.constant 0 : i32
      %dma_start3A_330 = tpu.memref_slice %arg6[%dma_start3A_326, %dma_start3A_328, %dma_start3A_329] : memref<10x125x64xf32, #tpu.memory_space<vmem>> -> memref<1x125x64xf32, #tpu.memory_space<vmem>>
      %dma_start3A_331 = tpu.memref_squeeze %dma_start3A_330 : memref<1x125x64xf32, #tpu.memory_space<vmem>> -> memref<125x64xf32, #tpu.memory_space<vmem>>
      %dma_start3A_332 = arith.constant 0 : i32
      %dma_start3A_333 = tpu.memref_slice %arg4[%add3A_325, %dma_start3A_332] : memref<1000000x64xf32, #tpu.memory_space<hbm>> -> memref<125x64xf32, #tpu.memory_space<hbm>>
      %dma_start3A_334 = tpu.memref_slice %arg8[%dma_start3A_327] : memref<10x!tpu.dma_semaphore, #tpu.memory_space<semaphore_mem>> -> memref<1x!tpu.dma_semaphore, #tpu.memory_space<semaphore_mem>>
      %dma_start3A_335 = tpu.memref_squeeze %dma_start3A_334 : memref<1x!tpu.dma_semaphore, #tpu.memory_space<semaphore_mem>> -> memref<!tpu.dma_semaphore, #tpu.memory_space<semaphore_mem>>
      %dma_start3A_336 = arith.constant 0 : i32
      %dma_start3A_337 = tpu.memref_slice %arg4[%add3A_325, %dma_start3A_336] : memref<1000000x64xf32, #tpu.memory_space<hbm>> -> memref<125x64xf32, #tpu.memory_space<hbm>>
      %dma_start3A_338 = arith.constant 0 : i32
      %dma_start3A_339 = arith.constant 0 : i32
      %dma_start3A_340 = tpu.memref_slice %arg6[%dma_start3A_326, %dma_start3A_338, %dma_start3A_339] : memref<10x125x64xf32, #tpu.memory_space<vmem>> -> memref<1x125x64xf32, #tpu.memory_space<vmem>>
      %dma_start3A_341 = tpu.memref_squeeze %dma_start3A_340 : memref<1x125x64xf32, #tpu.memory_space<vmem>> -> memref<125x64xf32, #tpu.memory_space<vmem>>
      tpu.enqueue_dma source(%dma_start3A_341 : memref<125x64xf32, #tpu.memory_space<vmem>>) target(%dma_start3A_337 : memref<125x64xf32, #tpu.memory_space<hbm>>) target_semaphore(%dma_start3A_335 : memref<!tpu.dma_semaphore, #tpu.memory_space<semaphore_mem>>)
      %add3A_342 = arith.constant 5 : i32
      %add3A_343 = arith.addi %add3A_308, %add3A_342 : i32
      %lt3A_344 = arith.constant 250 : i32
      %lt3A_345 = arith.cmpi slt, %add3A_343, %lt3A_344 : i32
      %convert_element_type3A_346 = arith.extui %lt3A_345 : i1 to i32
      %cond3A_347 = arith.constant 0 : i32
      %cond3A_348 = arith.cmpi ne, %convert_element_type3A_346, %cond3A_347 : i32
      scf.if %cond3A_348 {
        %ge3A = arith.constant 10 : i32
        %ge3A_701 = arith.cmpi sge, %add3A_343, %ge3A : i32
        %convert_element_type3A_702 = arith.extui %ge3A_701 : i1 to i32
        %cond3A_703 = arith.constant 0 : i32
        %cond3A_704 = arith.cmpi ne, %convert_element_type3A_702, %cond3A_703 : i32
        scf.if %cond3A_704 {
          %sub3A = arith.constant 10 : i32
          %sub3A_719 = arith.subi %add3A_343, %sub3A : i32
          %mul3A_720 = arith.constant 125 : i32
          %mul3A_721 = arith.muli %sub3A_719, %mul3A_720 : i32
          %add3A_722 = arith.addi %mul3A_4, %mul3A_721 : i32
          %dma_wait3A_723 = arith.constant 6 : i32
          %dma_wait3A_724 = arith.constant 6 : i32
          %dma_wait3A_725 = arith.constant 0 : i32
          %dma_wait3A_726 = arith.constant 0 : i32
          %dma_wait3A_727 = tpu.memref_slice %arg6[%dma_wait3A_723, %dma_wait3A_725, %dma_wait3A_726] : memref<10x125x64xf32, #tpu.memory_space<vmem>> -> memref<1x125x64xf32, #tpu.memory_space<vmem>>
          %dma_wait3A_728 = tpu.memref_squeeze %dma_wait3A_727 : memref<1x125x64xf32, #tpu.memory_space<vmem>> -> memref<125x64xf32, #tpu.memory_space<vmem>>
          %dma_wait3A_729 = arith.constant 0 : i32
          %dma_wait3A_730 = tpu.memref_slice %arg4[%add3A_722, %dma_wait3A_729] : memref<1000000x64xf32, #tpu.memory_space<hbm>> -> memref<125x64xf32, #tpu.memory_space<hbm>>
          %dma_wait3A_731 = tpu.memref_slice %arg8[%dma_wait3A_724] : memref<10x!tpu.dma_semaphore, #tpu.memory_space<semaphore_mem>> -> memref<1x!tpu.dma_semaphore, #tpu.memory_space<semaphore_mem>>
          %dma_wait3A_732 = tpu.memref_squeeze %dma_wait3A_731 : memref<1x!tpu.dma_semaphore, #tpu.memory_space<semaphore_mem>> -> memref<!tpu.dma_semaphore, #tpu.memory_space<semaphore_mem>>
          %dma_wait3A_733 = arith.constant 0 : i32
          %dma_wait3A_734 = tpu.memref_slice %arg4[%add3A_722, %dma_wait3A_733] : memref<1000000x64xf32, #tpu.memory_space<hbm>> -> memref<125x64xf32, #tpu.memory_space<hbm>>
          %dma_wait3A_735 = arith.constant 0 : i32
          %dma_wait3A_736 = arith.constant 0 : i32
          %dma_wait3A_737 = tpu.memref_slice %arg6[%dma_wait3A_723, %dma_wait3A_735, %dma_wait3A_736] : memref<10x125x64xf32, #tpu.memory_space<vmem>> -> memref<1x125x64xf32, #tpu.memory_space<vmem>>
          %dma_wait3A_738 = tpu.memref_squeeze %dma_wait3A_737 : memref<1x125x64xf32, #tpu.memory_space<vmem>> -> memref<125x64xf32, #tpu.memory_space<vmem>>
          tpu.wait_dma2 semaphore(%dma_wait3A_732 : memref<!tpu.dma_semaphore, #tpu.memory_space<semaphore_mem>>) src(%dma_wait3A_738 : memref<125x64xf32, #tpu.memory_space<vmem>>) dst(%dma_wait3A_734 : memref<125x64xf32, #tpu.memory_space<hbm>>)
        } else {
        }
        %dma_start3A_705 = arith.constant 6 : i32
        %dma_start3A_706 = arith.constant 6 : i32
        %dma_start3A_707 = arith.constant 0 : i32
        %dma_start3A_708 = arith.constant 0 : i32
        %dma_start3A_709 = tpu.memref_slice %arg6[%dma_start3A_705, %dma_start3A_707, %dma_start3A_708] : memref<10x125x64xf32, #tpu.memory_space<vmem>> -> memref<1x125x64xf32, #tpu.memory_space<vmem>>
        %dma_start3A_710 = tpu.memref_squeeze %dma_start3A_709 : memref<1x125x64xf32, #tpu.memory_space<vmem>> -> memref<125x64xf32, #tpu.memory_space<vmem>>
        %dma_start3A_711 = arith.constant 0 : i32
        %dma_start3A_712 = tpu.memref_slice %arg5[%add3A_343, %dma_start3A_711] : memref<250x125xi32, #tpu.memory_space<vmem>> -> memref<1x125xi32, #tpu.memory_space<vmem>>
        %dma_start3A_713 = tpu.memref_squeeze %dma_start3A_712 : memref<1x125xi32, #tpu.memory_space<vmem>> -> memref<125xi32, #tpu.memory_space<vmem>>
        %dma_start3A_714 = arith.constant 0 : i32
        %dma_start3A_715 = arith.constant 0 : i32
        %dma_start3A_716 = tpu.memref_slice %arg2[%dma_start3A_714, %dma_start3A_715] : memref<1000000x64xf32, #tpu.memory_space<hbm>> -> memref<1000000x64xf32, #tpu.memory_space<hbm>>
        %dma_start3A_717 = tpu.memref_slice %arg7[%dma_start3A_706] : memref<10x!tpu.dma_semaphore, #tpu.memory_space<semaphore_mem>> -> memref<1x!tpu.dma_semaphore, #tpu.memory_space<semaphore_mem>>
        %dma_start3A_718 = tpu.memref_squeeze %dma_start3A_717 : memref<1x!tpu.dma_semaphore, #tpu.memory_space<semaphore_mem>> -> memref<!tpu.dma_semaphore, #tpu.memory_space<semaphore_mem>>
        tpu.enqueue_indirect_dma source(%dma_start3A_716 : memref<1000000x64xf32, #tpu.memory_space<hbm>>) target(%dma_start3A_710 : memref<125x64xf32, #tpu.memory_space<vmem>>) offsets(%dma_start3A_713 : memref<125xi32, #tpu.memory_space<vmem>>) semaphore(%dma_start3A_718 : memref<!tpu.dma_semaphore, #tpu.memory_space<semaphore_mem>>)
      } else {
      }
      %mul3A_349 = arith.constant 10 : i32
      %mul3A_350 = arith.muli %scan3A_263, %mul3A_349 : i32
      %add3A_351 = arith.constant 2 : i32
      %add3A_352 = arith.addi %mul3A_350, %add3A_351 : i32
      %dma_wait3A_353 = arith.constant 2 : i32
      %dma_wait3A_354 = arith.constant 2 : i32
      %dma_wait3A_355 = arith.constant 0 : i32
      %dma_wait3A_356 = arith.constant 0 : i32
      %dma_wait3A_357 = tpu.memref_slice %arg6[%dma_wait3A_353, %dma_wait3A_355, %dma_wait3A_356] : memref<10x125x64xf32, #tpu.memory_space<vmem>> -> memref<1x125x64xf32, #tpu.memory_space<vmem>>
      %dma_wait3A_358 = tpu.memref_squeeze %dma_wait3A_357 : memref<1x125x64xf32, #tpu.memory_space<vmem>> -> memref<125x64xf32, #tpu.memory_space<vmem>>
      %dma_wait3A_359 = arith.constant 0 : i32
      %dma_wait3A_360 = tpu.memref_slice %arg5[%add3A_352, %dma_wait3A_359] : memref<250x125xi32, #tpu.memory_space<vmem>> -> memref<1x125xi32, #tpu.memory_space<vmem>>
      %dma_wait3A_361 = tpu.memref_squeeze %dma_wait3A_360 : memref<1x125xi32, #tpu.memory_space<vmem>> -> memref<125xi32, #tpu.memory_space<vmem>>
      %dma_wait3A_362 = arith.constant 0 : i32
      %dma_wait3A_363 = arith.constant 0 : i32
      %dma_wait3A_364 = tpu.memref_slice %arg2[%dma_wait3A_362, %dma_wait3A_363] : memref<1000000x64xf32, #tpu.memory_space<hbm>> -> memref<1000000x64xf32, #tpu.memory_space<hbm>>
      %dma_wait3A_365 = tpu.memref_slice %arg7[%dma_wait3A_354] : memref<10x!tpu.dma_semaphore, #tpu.memory_space<semaphore_mem>> -> memref<1x!tpu.dma_semaphore, #tpu.memory_space<semaphore_mem>>
      %dma_wait3A_366 = tpu.memref_squeeze %dma_wait3A_365 : memref<1x!tpu.dma_semaphore, #tpu.memory_space<semaphore_mem>> -> memref<!tpu.dma_semaphore, #tpu.memory_space<semaphore_mem>>
      tpu.wait_indirect_dma semaphore(%dma_wait3A_366 : memref<!tpu.dma_semaphore, #tpu.memory_space<semaphore_mem>>) src(%dma_wait3A_364 : memref<1000000x64xf32, #tpu.memory_space<hbm>>) dst(%dma_wait3A_358 : memref<125x64xf32, #tpu.memory_space<vmem>>)
      %mul3A_367 = arith.constant 125 : i32
      %mul3A_368 = arith.muli %add3A_352, %mul3A_367 : i32
      %add3A_369 = arith.addi %mul3A_4, %mul3A_368 : i32
      %dma_start3A_370 = arith.constant 2 : i32
      %dma_start3A_371 = arith.constant 2 : i32
      %dma_start3A_372 = arith.constant 0 : i32
      %dma_start3A_373 = arith.constant 0 : i32
      %dma_start3A_374 = tpu.memref_slice %arg6[%dma_start3A_370, %dma_start3A_372, %dma_start3A_373] : memref<10x125x64xf32, #tpu.memory_space<vmem>> -> memref<1x125x64xf32, #tpu.memory_space<vmem>>
      %dma_start3A_375 = tpu.memref_squeeze %dma_start3A_374 : memref<1x125x64xf32, #tpu.memory_space<vmem>> -> memref<125x64xf32, #tpu.memory_space<vmem>>
      %dma_start3A_376 = arith.constant 0 : i32
      %dma_start3A_377 = tpu.memref_slice %arg4[%add3A_369, %dma_start3A_376] : memref<1000000x64xf32, #tpu.memory_space<hbm>> -> memref<125x64xf32, #tpu.memory_space<hbm>>
      %dma_start3A_378 = tpu.memref_slice %arg8[%dma_start3A_371] : memref<10x!tpu.dma_semaphore, #tpu.memory_space<semaphore_mem>> -> memref<1x!tpu.dma_semaphore, #tpu.memory_space<semaphore_mem>>
      %dma_start3A_379 = tpu.memref_squeeze %dma_start3A_378 : memref<1x!tpu.dma_semaphore, #tpu.memory_space<semaphore_mem>> -> memref<!tpu.dma_semaphore, #tpu.memory_space<semaphore_mem>>
      %dma_start3A_380 = arith.constant 0 : i32
      %dma_start3A_381 = tpu.memref_slice %arg4[%add3A_369, %dma_start3A_380] : memref<1000000x64xf32, #tpu.memory_space<hbm>> -> memref<125x64xf32, #tpu.memory_space<hbm>>
      %dma_start3A_382 = arith.constant 0 : i32
      %dma_start3A_383 = arith.constant 0 : i32
      %dma_start3A_384 = tpu.memref_slice %arg6[%dma_start3A_370, %dma_start3A_382, %dma_start3A_383] : memref<10x125x64xf32, #tpu.memory_space<vmem>> -> memref<1x125x64xf32, #tpu.memory_space<vmem>>
      %dma_start3A_385 = tpu.memref_squeeze %dma_start3A_384 : memref<1x125x64xf32, #tpu.memory_space<vmem>> -> memref<125x64xf32, #tpu.memory_space<vmem>>
      tpu.enqueue_dma source(%dma_start3A_385 : memref<125x64xf32, #tpu.memory_space<vmem>>) target(%dma_start3A_381 : memref<125x64xf32, #tpu.memory_space<hbm>>) target_semaphore(%dma_start3A_379 : memref<!tpu.dma_semaphore, #tpu.memory_space<semaphore_mem>>)
      %add3A_386 = arith.constant 5 : i32
      %add3A_387 = arith.addi %add3A_352, %add3A_386 : i32
      %lt3A_388 = arith.constant 250 : i32
      %lt3A_389 = arith.cmpi slt, %add3A_387, %lt3A_388 : i32
      %convert_element_type3A_390 = arith.extui %lt3A_389 : i1 to i32
      %cond3A_391 = arith.constant 0 : i32
      %cond3A_392 = arith.cmpi ne, %convert_element_type3A_390, %cond3A_391 : i32
      scf.if %cond3A_392 {
        %ge3A = arith.constant 10 : i32
        %ge3A_701 = arith.cmpi sge, %add3A_387, %ge3A : i32
        %convert_element_type3A_702 = arith.extui %ge3A_701 : i1 to i32
        %cond3A_703 = arith.constant 0 : i32
        %cond3A_704 = arith.cmpi ne, %convert_element_type3A_702, %cond3A_703 : i32
        scf.if %cond3A_704 {
          %sub3A = arith.constant 10 : i32
          %sub3A_719 = arith.subi %add3A_387, %sub3A : i32
          %mul3A_720 = arith.constant 125 : i32
          %mul3A_721 = arith.muli %sub3A_719, %mul3A_720 : i32
          %add3A_722 = arith.addi %mul3A_4, %mul3A_721 : i32
          %dma_wait3A_723 = arith.constant 7 : i32
          %dma_wait3A_724 = arith.constant 7 : i32
          %dma_wait3A_725 = arith.constant 0 : i32
          %dma_wait3A_726 = arith.constant 0 : i32
          %dma_wait3A_727 = tpu.memref_slice %arg6[%dma_wait3A_723, %dma_wait3A_725, %dma_wait3A_726] : memref<10x125x64xf32, #tpu.memory_space<vmem>> -> memref<1x125x64xf32, #tpu.memory_space<vmem>>
          %dma_wait3A_728 = tpu.memref_squeeze %dma_wait3A_727 : memref<1x125x64xf32, #tpu.memory_space<vmem>> -> memref<125x64xf32, #tpu.memory_space<vmem>>
          %dma_wait3A_729 = arith.constant 0 : i32
          %dma_wait3A_730 = tpu.memref_slice %arg4[%add3A_722, %dma_wait3A_729] : memref<1000000x64xf32, #tpu.memory_space<hbm>> -> memref<125x64xf32, #tpu.memory_space<hbm>>
          %dma_wait3A_731 = tpu.memref_slice %arg8[%dma_wait3A_724] : memref<10x!tpu.dma_semaphore, #tpu.memory_space<semaphore_mem>> -> memref<1x!tpu.dma_semaphore, #tpu.memory_space<semaphore_mem>>
          %dma_wait3A_732 = tpu.memref_squeeze %dma_wait3A_731 : memref<1x!tpu.dma_semaphore, #tpu.memory_space<semaphore_mem>> -> memref<!tpu.dma_semaphore, #tpu.memory_space<semaphore_mem>>
          %dma_wait3A_733 = arith.constant 0 : i32
          %dma_wait3A_734 = tpu.memref_slice %arg4[%add3A_722, %dma_wait3A_733] : memref<1000000x64xf32, #tpu.memory_space<hbm>> -> memref<125x64xf32, #tpu.memory_space<hbm>>
          %dma_wait3A_735 = arith.constant 0 : i32
          %dma_wait3A_736 = arith.constant 0 : i32
          %dma_wait3A_737 = tpu.memref_slice %arg6[%dma_wait3A_723, %dma_wait3A_735, %dma_wait3A_736] : memref<10x125x64xf32, #tpu.memory_space<vmem>> -> memref<1x125x64xf32, #tpu.memory_space<vmem>>
          %dma_wait3A_738 = tpu.memref_squeeze %dma_wait3A_737 : memref<1x125x64xf32, #tpu.memory_space<vmem>> -> memref<125x64xf32, #tpu.memory_space<vmem>>
          tpu.wait_dma2 semaphore(%dma_wait3A_732 : memref<!tpu.dma_semaphore, #tpu.memory_space<semaphore_mem>>) src(%dma_wait3A_738 : memref<125x64xf32, #tpu.memory_space<vmem>>) dst(%dma_wait3A_734 : memref<125x64xf32, #tpu.memory_space<hbm>>)
        } else {
        }
        %dma_start3A_705 = arith.constant 7 : i32
        %dma_start3A_706 = arith.constant 7 : i32
        %dma_start3A_707 = arith.constant 0 : i32
        %dma_start3A_708 = arith.constant 0 : i32
        %dma_start3A_709 = tpu.memref_slice %arg6[%dma_start3A_705, %dma_start3A_707, %dma_start3A_708] : memref<10x125x64xf32, #tpu.memory_space<vmem>> -> memref<1x125x64xf32, #tpu.memory_space<vmem>>
        %dma_start3A_710 = tpu.memref_squeeze %dma_start3A_709 : memref<1x125x64xf32, #tpu.memory_space<vmem>> -> memref<125x64xf32, #tpu.memory_space<vmem>>
        %dma_start3A_711 = arith.constant 0 : i32
        %dma_start3A_712 = tpu.memref_slice %arg5[%add3A_387, %dma_start3A_711] : memref<250x125xi32, #tpu.memory_space<vmem>> -> memref<1x125xi32, #tpu.memory_space<vmem>>
        %dma_start3A_713 = tpu.memref_squeeze %dma_start3A_712 : memref<1x125xi32, #tpu.memory_space<vmem>> -> memref<125xi32, #tpu.memory_space<vmem>>
        %dma_start3A_714 = arith.constant 0 : i32
        %dma_start3A_715 = arith.constant 0 : i32
        %dma_start3A_716 = tpu.memref_slice %arg2[%dma_start3A_714, %dma_start3A_715] : memref<1000000x64xf32, #tpu.memory_space<hbm>> -> memref<1000000x64xf32, #tpu.memory_space<hbm>>
        %dma_start3A_717 = tpu.memref_slice %arg7[%dma_start3A_706] : memref<10x!tpu.dma_semaphore, #tpu.memory_space<semaphore_mem>> -> memref<1x!tpu.dma_semaphore, #tpu.memory_space<semaphore_mem>>
        %dma_start3A_718 = tpu.memref_squeeze %dma_start3A_717 : memref<1x!tpu.dma_semaphore, #tpu.memory_space<semaphore_mem>> -> memref<!tpu.dma_semaphore, #tpu.memory_space<semaphore_mem>>
        tpu.enqueue_indirect_dma source(%dma_start3A_716 : memref<1000000x64xf32, #tpu.memory_space<hbm>>) target(%dma_start3A_710 : memref<125x64xf32, #tpu.memory_space<vmem>>) offsets(%dma_start3A_713 : memref<125xi32, #tpu.memory_space<vmem>>) semaphore(%dma_start3A_718 : memref<!tpu.dma_semaphore, #tpu.memory_space<semaphore_mem>>)
      } else {
      }
      %mul3A_393 = arith.constant 10 : i32
      %mul3A_394 = arith.muli %scan3A_263, %mul3A_393 : i32
      %add3A_395 = arith.constant 3 : i32
      %add3A_396 = arith.addi %mul3A_394, %add3A_395 : i32
      %dma_wait3A_397 = arith.constant 3 : i32
      %dma_wait3A_398 = arith.constant 3 : i32
      %dma_wait3A_399 = arith.constant 0 : i32
      %dma_wait3A_400 = arith.constant 0 : i32
      %dma_wait3A_401 = tpu.memref_slice %arg6[%dma_wait3A_397, %dma_wait3A_399, %dma_wait3A_400] : memref<10x125x64xf32, #tpu.memory_space<vmem>> -> memref<1x125x64xf32, #tpu.memory_space<vmem>>
      %dma_wait3A_402 = tpu.memref_squeeze %dma_wait3A_401 : memref<1x125x64xf32, #tpu.memory_space<vmem>> -> memref<125x64xf32, #tpu.memory_space<vmem>>
      %dma_wait3A_403 = arith.constant 0 : i32
      %dma_wait3A_404 = tpu.memref_slice %arg5[%add3A_396, %dma_wait3A_403] : memref<250x125xi32, #tpu.memory_space<vmem>> -> memref<1x125xi32, #tpu.memory_space<vmem>>
      %dma_wait3A_405 = tpu.memref_squeeze %dma_wait3A_404 : memref<1x125xi32, #tpu.memory_space<vmem>> -> memref<125xi32, #tpu.memory_space<vmem>>
      %dma_wait3A_406 = arith.constant 0 : i32
      %dma_wait3A_407 = arith.constant 0 : i32
      %dma_wait3A_408 = tpu.memref_slice %arg2[%dma_wait3A_406, %dma_wait3A_407] : memref<1000000x64xf32, #tpu.memory_space<hbm>> -> memref<1000000x64xf32, #tpu.memory_space<hbm>>
      %dma_wait3A_409 = tpu.memref_slice %arg7[%dma_wait3A_398] : memref<10x!tpu.dma_semaphore, #tpu.memory_space<semaphore_mem>> -> memref<1x!tpu.dma_semaphore, #tpu.memory_space<semaphore_mem>>
      %dma_wait3A_410 = tpu.memref_squeeze %dma_wait3A_409 : memref<1x!tpu.dma_semaphore, #tpu.memory_space<semaphore_mem>> -> memref<!tpu.dma_semaphore, #tpu.memory_space<semaphore_mem>>
      tpu.wait_indirect_dma semaphore(%dma_wait3A_410 : memref<!tpu.dma_semaphore, #tpu.memory_space<semaphore_mem>>) src(%dma_wait3A_408 : memref<1000000x64xf32, #tpu.memory_space<hbm>>) dst(%dma_wait3A_402 : memref<125x64xf32, #tpu.memory_space<vmem>>)
      %mul3A_411 = arith.constant 125 : i32
      %mul3A_412 = arith.muli %add3A_396, %mul3A_411 : i32
      %add3A_413 = arith.addi %mul3A_4, %mul3A_412 : i32
      %dma_start3A_414 = arith.constant 3 : i32
      %dma_start3A_415 = arith.constant 3 : i32
      %dma_start3A_416 = arith.constant 0 : i32
      %dma_start3A_417 = arith.constant 0 : i32
      %dma_start3A_418 = tpu.memref_slice %arg6[%dma_start3A_414, %dma_start3A_416, %dma_start3A_417] : memref<10x125x64xf32, #tpu.memory_space<vmem>> -> memref<1x125x64xf32, #tpu.memory_space<vmem>>
      %dma_start3A_419 = tpu.memref_squeeze %dma_start3A_418 : memref<1x125x64xf32, #tpu.memory_space<vmem>> -> memref<125x64xf32, #tpu.memory_space<vmem>>
      %dma_start3A_420 = arith.constant 0 : i32
      %dma_start3A_421 = tpu.memref_slice %arg4[%add3A_413, %dma_start3A_420] : memref<1000000x64xf32, #tpu.memory_space<hbm>> -> memref<125x64xf32, #tpu.memory_space<hbm>>
      %dma_start3A_422 = tpu.memref_slice %arg8[%dma_start3A_415] : memref<10x!tpu.dma_semaphore, #tpu.memory_space<semaphore_mem>> -> memref<1x!tpu.dma_semaphore, #tpu.memory_space<semaphore_mem>>
      %dma_start3A_423 = tpu.memref_squeeze %dma_start3A_422 : memref<1x!tpu.dma_semaphore, #tpu.memory_space<semaphore_mem>> -> memref<!tpu.dma_semaphore, #tpu.memory_space<semaphore_mem>>
      %dma_start3A_424 = arith.constant 0 : i32
      %dma_start3A_425 = tpu.memref_slice %arg4[%add3A_413, %dma_start3A_424] : memref<1000000x64xf32, #tpu.memory_space<hbm>> -> memref<125x64xf32, #tpu.memory_space<hbm>>
      %dma_start3A_426 = arith.constant 0 : i32
      %dma_start3A_427 = arith.constant 0 : i32
      %dma_start3A_428 = tpu.memref_slice %arg6[%dma_start3A_414, %dma_start3A_426, %dma_start3A_427] : memref<10x125x64xf32, #tpu.memory_space<vmem>> -> memref<1x125x64xf32, #tpu.memory_space<vmem>>
      %dma_start3A_429 = tpu.memref_squeeze %dma_start3A_428 : memref<1x125x64xf32, #tpu.memory_space<vmem>> -> memref<125x64xf32, #tpu.memory_space<vmem>>
      tpu.enqueue_dma source(%dma_start3A_429 : memref<125x64xf32, #tpu.memory_space<vmem>>) target(%dma_start3A_425 : memref<125x64xf32, #tpu.memory_space<hbm>>) target_semaphore(%dma_start3A_423 : memref<!tpu.dma_semaphore, #tpu.memory_space<semaphore_mem>>)
      %add3A_430 = arith.constant 5 : i32
      %add3A_431 = arith.addi %add3A_396, %add3A_430 : i32
      %lt3A_432 = arith.constant 250 : i32
      %lt3A_433 = arith.cmpi slt, %add3A_431, %lt3A_432 : i32
      %convert_element_type3A_434 = arith.extui %lt3A_433 : i1 to i32
      %cond3A_435 = arith.constant 0 : i32
      %cond3A_436 = arith.cmpi ne, %convert_element_type3A_434, %cond3A_435 : i32
      scf.if %cond3A_436 {
        %ge3A = arith.constant 10 : i32
        %ge3A_701 = arith.cmpi sge, %add3A_431, %ge3A : i32
        %convert_element_type3A_702 = arith.extui %ge3A_701 : i1 to i32
        %cond3A_703 = arith.constant 0 : i32
        %cond3A_704 = arith.cmpi ne, %convert_element_type3A_702, %cond3A_703 : i32
        scf.if %cond3A_704 {
          %sub3A = arith.constant 10 : i32
          %sub3A_719 = arith.subi %add3A_431, %sub3A : i32
          %mul3A_720 = arith.constant 125 : i32
          %mul3A_721 = arith.muli %sub3A_719, %mul3A_720 : i32
          %add3A_722 = arith.addi %mul3A_4, %mul3A_721 : i32
          %dma_wait3A_723 = arith.constant 8 : i32
          %dma_wait3A_724 = arith.constant 8 : i32
          %dma_wait3A_725 = arith.constant 0 : i32
          %dma_wait3A_726 = arith.constant 0 : i32
          %dma_wait3A_727 = tpu.memref_slice %arg6[%dma_wait3A_723, %dma_wait3A_725, %dma_wait3A_726] : memref<10x125x64xf32, #tpu.memory_space<vmem>> -> memref<1x125x64xf32, #tpu.memory_space<vmem>>
          %dma_wait3A_728 = tpu.memref_squeeze %dma_wait3A_727 : memref<1x125x64xf32, #tpu.memory_space<vmem>> -> memref<125x64xf32, #tpu.memory_space<vmem>>
          %dma_wait3A_729 = arith.constant 0 : i32
          %dma_wait3A_730 = tpu.memref_slice %arg4[%add3A_722, %dma_wait3A_729] : memref<1000000x64xf32, #tpu.memory_space<hbm>> -> memref<125x64xf32, #tpu.memory_space<hbm>>
          %dma_wait3A_731 = tpu.memref_slice %arg8[%dma_wait3A_724] : memref<10x!tpu.dma_semaphore, #tpu.memory_space<semaphore_mem>> -> memref<1x!tpu.dma_semaphore, #tpu.memory_space<semaphore_mem>>
          %dma_wait3A_732 = tpu.memref_squeeze %dma_wait3A_731 : memref<1x!tpu.dma_semaphore, #tpu.memory_space<semaphore_mem>> -> memref<!tpu.dma_semaphore, #tpu.memory_space<semaphore_mem>>
          %dma_wait3A_733 = arith.constant 0 : i32
          %dma_wait3A_734 = tpu.memref_slice %arg4[%add3A_722, %dma_wait3A_733] : memref<1000000x64xf32, #tpu.memory_space<hbm>> -> memref<125x64xf32, #tpu.memory_space<hbm>>
          %dma_wait3A_735 = arith.constant 0 : i32
          %dma_wait3A_736 = arith.constant 0 : i32
          %dma_wait3A_737 = tpu.memref_slice %arg6[%dma_wait3A_723, %dma_wait3A_735, %dma_wait3A_736] : memref<10x125x64xf32, #tpu.memory_space<vmem>> -> memref<1x125x64xf32, #tpu.memory_space<vmem>>
          %dma_wait3A_738 = tpu.memref_squeeze %dma_wait3A_737 : memref<1x125x64xf32, #tpu.memory_space<vmem>> -> memref<125x64xf32, #tpu.memory_space<vmem>>
          tpu.wait_dma2 semaphore(%dma_wait3A_732 : memref<!tpu.dma_semaphore, #tpu.memory_space<semaphore_mem>>) src(%dma_wait3A_738 : memref<125x64xf32, #tpu.memory_space<vmem>>) dst(%dma_wait3A_734 : memref<125x64xf32, #tpu.memory_space<hbm>>)
        } else {
        }
        %dma_start3A_705 = arith.constant 8 : i32
        %dma_start3A_706 = arith.constant 8 : i32
        %dma_start3A_707 = arith.constant 0 : i32
        %dma_start3A_708 = arith.constant 0 : i32
        %dma_start3A_709 = tpu.memref_slice %arg6[%dma_start3A_705, %dma_start3A_707, %dma_start3A_708] : memref<10x125x64xf32, #tpu.memory_space<vmem>> -> memref<1x125x64xf32, #tpu.memory_space<vmem>>
        %dma_start3A_710 = tpu.memref_squeeze %dma_start3A_709 : memref<1x125x64xf32, #tpu.memory_space<vmem>> -> memref<125x64xf32, #tpu.memory_space<vmem>>
        %dma_start3A_711 = arith.constant 0 : i32
        %dma_start3A_712 = tpu.memref_slice %arg5[%add3A_431, %dma_start3A_711] : memref<250x125xi32, #tpu.memory_space<vmem>> -> memref<1x125xi32, #tpu.memory_space<vmem>>
        %dma_start3A_713 = tpu.memref_squeeze %dma_start3A_712 : memref<1x125xi32, #tpu.memory_space<vmem>> -> memref<125xi32, #tpu.memory_space<vmem>>
        %dma_start3A_714 = arith.constant 0 : i32
        %dma_start3A_715 = arith.constant 0 : i32
        %dma_start3A_716 = tpu.memref_slice %arg2[%dma_start3A_714, %dma_start3A_715] : memref<1000000x64xf32, #tpu.memory_space<hbm>> -> memref<1000000x64xf32, #tpu.memory_space<hbm>>
        %dma_start3A_717 = tpu.memref_slice %arg7[%dma_start3A_706] : memref<10x!tpu.dma_semaphore, #tpu.memory_space<semaphore_mem>> -> memref<1x!tpu.dma_semaphore, #tpu.memory_space<semaphore_mem>>
        %dma_start3A_718 = tpu.memref_squeeze %dma_start3A_717 : memref<1x!tpu.dma_semaphore, #tpu.memory_space<semaphore_mem>> -> memref<!tpu.dma_semaphore, #tpu.memory_space<semaphore_mem>>
        tpu.enqueue_indirect_dma source(%dma_start3A_716 : memref<1000000x64xf32, #tpu.memory_space<hbm>>) target(%dma_start3A_710 : memref<125x64xf32, #tpu.memory_space<vmem>>) offsets(%dma_start3A_713 : memref<125xi32, #tpu.memory_space<vmem>>) semaphore(%dma_start3A_718 : memref<!tpu.dma_semaphore, #tpu.memory_space<semaphore_mem>>)
      } else {
      }
      %mul3A_437 = arith.constant 10 : i32
      %mul3A_438 = arith.muli %scan3A_263, %mul3A_437 : i32
      %add3A_439 = arith.constant 4 : i32
      %add3A_440 = arith.addi %mul3A_438, %add3A_439 : i32
      %dma_wait3A_441 = arith.constant 4 : i32
      %dma_wait3A_442 = arith.constant 4 : i32
      %dma_wait3A_443 = arith.constant 0 : i32
      %dma_wait3A_444 = arith.constant 0 : i32
      %dma_wait3A_445 = tpu.memref_slice %arg6[%dma_wait3A_441, %dma_wait3A_443, %dma_wait3A_444] : memref<10x125x64xf32, #tpu.memory_space<vmem>> -> memref<1x125x64xf32, #tpu.memory_space<vmem>>
      %dma_wait3A_446 = tpu.memref_squeeze %dma_wait3A_445 : memref<1x125x64xf32, #tpu.memory_space<vmem>> -> memref<125x64xf32, #tpu.memory_space<vmem>>
      %dma_wait3A_447 = arith.constant 0 : i32
      %dma_wait3A_448 = tpu.memref_slice %arg5[%add3A_440, %dma_wait3A_447] : memref<250x125xi32, #tpu.memory_space<vmem>> -> memref<1x125xi32, #tpu.memory_space<vmem>>
      %dma_wait3A_449 = tpu.memref_squeeze %dma_wait3A_448 : memref<1x125xi32, #tpu.memory_space<vmem>> -> memref<125xi32, #tpu.memory_space<vmem>>
      %dma_wait3A_450 = arith.constant 0 : i32
      %dma_wait3A_451 = arith.constant 0 : i32
      %dma_wait3A_452 = tpu.memref_slice %arg2[%dma_wait3A_450, %dma_wait3A_451] : memref<1000000x64xf32, #tpu.memory_space<hbm>> -> memref<1000000x64xf32, #tpu.memory_space<hbm>>
      %dma_wait3A_453 = tpu.memref_slice %arg7[%dma_wait3A_442] : memref<10x!tpu.dma_semaphore, #tpu.memory_space<semaphore_mem>> -> memref<1x!tpu.dma_semaphore, #tpu.memory_space<semaphore_mem>>
      %dma_wait3A_454 = tpu.memref_squeeze %dma_wait3A_453 : memref<1x!tpu.dma_semaphore, #tpu.memory_space<semaphore_mem>> -> memref<!tpu.dma_semaphore, #tpu.memory_space<semaphore_mem>>
      tpu.wait_indirect_dma semaphore(%dma_wait3A_454 : memref<!tpu.dma_semaphore, #tpu.memory_space<semaphore_mem>>) src(%dma_wait3A_452 : memref<1000000x64xf32, #tpu.memory_space<hbm>>) dst(%dma_wait3A_446 : memref<125x64xf32, #tpu.memory_space<vmem>>)
      %mul3A_455 = arith.constant 125 : i32
      %mul3A_456 = arith.muli %add3A_440, %mul3A_455 : i32
      %add3A_457 = arith.addi %mul3A_4, %mul3A_456 : i32
      %dma_start3A_458 = arith.constant 4 : i32
      %dma_start3A_459 = arith.constant 4 : i32
      %dma_start3A_460 = arith.constant 0 : i32
      %dma_start3A_461 = arith.constant 0 : i32
      %dma_start3A_462 = tpu.memref_slice %arg6[%dma_start3A_458, %dma_start3A_460, %dma_start3A_461] : memref<10x125x64xf32, #tpu.memory_space<vmem>> -> memref<1x125x64xf32, #tpu.memory_space<vmem>>
      %dma_start3A_463 = tpu.memref_squeeze %dma_start3A_462 : memref<1x125x64xf32, #tpu.memory_space<vmem>> -> memref<125x64xf32, #tpu.memory_space<vmem>>
      %dma_start3A_464 = arith.constant 0 : i32
      %dma_start3A_465 = tpu.memref_slice %arg4[%add3A_457, %dma_start3A_464] : memref<1000000x64xf32, #tpu.memory_space<hbm>> -> memref<125x64xf32, #tpu.memory_space<hbm>>
      %dma_start3A_466 = tpu.memref_slice %arg8[%dma_start3A_459] : memref<10x!tpu.dma_semaphore, #tpu.memory_space<semaphore_mem>> -> memref<1x!tpu.dma_semaphore, #tpu.memory_space<semaphore_mem>>
      %dma_start3A_467 = tpu.memref_squeeze %dma_start3A_466 : memref<1x!tpu.dma_semaphore, #tpu.memory_space<semaphore_mem>> -> memref<!tpu.dma_semaphore, #tpu.memory_space<semaphore_mem>>
      %dma_start3A_468 = arith.constant 0 : i32
      %dma_start3A_469 = tpu.memref_slice %arg4[%add3A_457, %dma_start3A_468] : memref<1000000x64xf32, #tpu.memory_space<hbm>> -> memref<125x64xf32, #tpu.memory_space<hbm>>
      %dma_start3A_470 = arith.constant 0 : i32
      %dma_start3A_471 = arith.constant 0 : i32
      %dma_start3A_472 = tpu.memref_slice %arg6[%dma_start3A_458, %dma_start3A_470, %dma_start3A_471] : memref<10x125x64xf32, #tpu.memory_space<vmem>> -> memref<1x125x64xf32, #tpu.memory_space<vmem>>
      %dma_start3A_473 = tpu.memref_squeeze %dma_start3A_472 : memref<1x125x64xf32, #tpu.memory_space<vmem>> -> memref<125x64xf32, #tpu.memory_space<vmem>>
      tpu.enqueue_dma source(%dma_start3A_473 : memref<125x64xf32, #tpu.memory_space<vmem>>) target(%dma_start3A_469 : memref<125x64xf32, #tpu.memory_space<hbm>>) target_semaphore(%dma_start3A_467 : memref<!tpu.dma_semaphore, #tpu.memory_space<semaphore_mem>>)
      %add3A_474 = arith.constant 5 : i32
      %add3A_475 = arith.addi %add3A_440, %add3A_474 : i32
      %lt3A_476 = arith.constant 250 : i32
      %lt3A_477 = arith.cmpi slt, %add3A_475, %lt3A_476 : i32
      %convert_element_type3A_478 = arith.extui %lt3A_477 : i1 to i32
      %cond3A_479 = arith.constant 0 : i32
      %cond3A_480 = arith.cmpi ne, %convert_element_type3A_478, %cond3A_479 : i32
      scf.if %cond3A_480 {
        %ge3A = arith.constant 10 : i32
        %ge3A_701 = arith.cmpi sge, %add3A_475, %ge3A : i32
        %convert_element_type3A_702 = arith.extui %ge3A_701 : i1 to i32
        %cond3A_703 = arith.constant 0 : i32
        %cond3A_704 = arith.cmpi ne, %convert_element_type3A_702, %cond3A_703 : i32
        scf.if %cond3A_704 {
          %sub3A = arith.constant 10 : i32
          %sub3A_719 = arith.subi %add3A_475, %sub3A : i32
          %mul3A_720 = arith.constant 125 : i32
          %mul3A_721 = arith.muli %sub3A_719, %mul3A_720 : i32
          %add3A_722 = arith.addi %mul3A_4, %mul3A_721 : i32
          %dma_wait3A_723 = arith.constant 9 : i32
          %dma_wait3A_724 = arith.constant 9 : i32
          %dma_wait3A_725 = arith.constant 0 : i32
          %dma_wait3A_726 = arith.constant 0 : i32
          %dma_wait3A_727 = tpu.memref_slice %arg6[%dma_wait3A_723, %dma_wait3A_725, %dma_wait3A_726] : memref<10x125x64xf32, #tpu.memory_space<vmem>> -> memref<1x125x64xf32, #tpu.memory_space<vmem>>
          %dma_wait3A_728 = tpu.memref_squeeze %dma_wait3A_727 : memref<1x125x64xf32, #tpu.memory_space<vmem>> -> memref<125x64xf32, #tpu.memory_space<vmem>>
          %dma_wait3A_729 = arith.constant 0 : i32
          %dma_wait3A_730 = tpu.memref_slice %arg4[%add3A_722, %dma_wait3A_729] : memref<1000000x64xf32, #tpu.memory_space<hbm>> -> memref<125x64xf32, #tpu.memory_space<hbm>>
          %dma_wait3A_731 = tpu.memref_slice %arg8[%dma_wait3A_724] : memref<10x!tpu.dma_semaphore, #tpu.memory_space<semaphore_mem>> -> memref<1x!tpu.dma_semaphore, #tpu.memory_space<semaphore_mem>>
          %dma_wait3A_732 = tpu.memref_squeeze %dma_wait3A_731 : memref<1x!tpu.dma_semaphore, #tpu.memory_space<semaphore_mem>> -> memref<!tpu.dma_semaphore, #tpu.memory_space<semaphore_mem>>
          %dma_wait3A_733 = arith.constant 0 : i32
          %dma_wait3A_734 = tpu.memref_slice %arg4[%add3A_722, %dma_wait3A_733] : memref<1000000x64xf32, #tpu.memory_space<hbm>> -> memref<125x64xf32, #tpu.memory_space<hbm>>
          %dma_wait3A_735 = arith.constant 0 : i32
          %dma_wait3A_736 = arith.constant 0 : i32
          %dma_wait3A_737 = tpu.memref_slice %arg6[%dma_wait3A_723, %dma_wait3A_735, %dma_wait3A_736] : memref<10x125x64xf32, #tpu.memory_space<vmem>> -> memref<1x125x64xf32, #tpu.memory_space<vmem>>
          %dma_wait3A_738 = tpu.memref_squeeze %dma_wait3A_737 : memref<1x125x64xf32, #tpu.memory_space<vmem>> -> memref<125x64xf32, #tpu.memory_space<vmem>>
          tpu.wait_dma2 semaphore(%dma_wait3A_732 : memref<!tpu.dma_semaphore, #tpu.memory_space<semaphore_mem>>) src(%dma_wait3A_738 : memref<125x64xf32, #tpu.memory_space<vmem>>) dst(%dma_wait3A_734 : memref<125x64xf32, #tpu.memory_space<hbm>>)
        } else {
        }
        %dma_start3A_705 = arith.constant 9 : i32
        %dma_start3A_706 = arith.constant 9 : i32
        %dma_start3A_707 = arith.constant 0 : i32
        %dma_start3A_708 = arith.constant 0 : i32
        %dma_start3A_709 = tpu.memref_slice %arg6[%dma_start3A_705, %dma_start3A_707, %dma_start3A_708] : memref<10x125x64xf32, #tpu.memory_space<vmem>> -> memref<1x125x64xf32, #tpu.memory_space<vmem>>
        %dma_start3A_710 = tpu.memref_squeeze %dma_start3A_709 : memref<1x125x64xf32, #tpu.memory_space<vmem>> -> memref<125x64xf32, #tpu.memory_space<vmem>>
        %dma_start3A_711 = arith.constant 0 : i32
        %dma_start3A_712 = tpu.memref_slice %arg5[%add3A_475, %dma_start3A_711] : memref<250x125xi32, #tpu.memory_space<vmem>> -> memref<1x125xi32, #tpu.memory_space<vmem>>
        %dma_start3A_713 = tpu.memref_squeeze %dma_start3A_712 : memref<1x125xi32, #tpu.memory_space<vmem>> -> memref<125xi32, #tpu.memory_space<vmem>>
        %dma_start3A_714 = arith.constant 0 : i32
        %dma_start3A_715 = arith.constant 0 : i32
        %dma_start3A_716 = tpu.memref_slice %arg2[%dma_start3A_714, %dma_start3A_715] : memref<1000000x64xf32, #tpu.memory_space<hbm>> -> memref<1000000x64xf32, #tpu.memory_space<hbm>>
        %dma_start3A_717 = tpu.memref_slice %arg7[%dma_start3A_706] : memref<10x!tpu.dma_semaphore, #tpu.memory_space<semaphore_mem>> -> memref<1x!tpu.dma_semaphore, #tpu.memory_space<semaphore_mem>>
        %dma_start3A_718 = tpu.memref_squeeze %dma_start3A_717 : memref<1x!tpu.dma_semaphore, #tpu.memory_space<semaphore_mem>> -> memref<!tpu.dma_semaphore, #tpu.memory_space<semaphore_mem>>
        tpu.enqueue_indirect_dma source(%dma_start3A_716 : memref<1000000x64xf32, #tpu.memory_space<hbm>>) target(%dma_start3A_710 : memref<125x64xf32, #tpu.memory_space<vmem>>) offsets(%dma_start3A_713 : memref<125xi32, #tpu.memory_space<vmem>>) semaphore(%dma_start3A_718 : memref<!tpu.dma_semaphore, #tpu.memory_space<semaphore_mem>>)
      } else {
      }
      %mul3A_481 = arith.constant 10 : i32
      %mul3A_482 = arith.muli %scan3A_263, %mul3A_481 : i32
      %add3A_483 = arith.constant 5 : i32
      %add3A_484 = arith.addi %mul3A_482, %add3A_483 : i32
      %dma_wait3A_485 = arith.constant 5 : i32
      %dma_wait3A_486 = arith.constant 5 : i32
      %dma_wait3A_487 = arith.constant 0 : i32
      %dma_wait3A_488 = arith.constant 0 : i32
      %dma_wait3A_489 = tpu.memref_slice %arg6[%dma_wait3A_485, %dma_wait3A_487, %dma_wait3A_488] : memref<10x125x64xf32, #tpu.memory_space<vmem>> -> memref<1x125x64xf32, #tpu.memory_space<vmem>>
      %dma_wait3A_490 = tpu.memref_squeeze %dma_wait3A_489 : memref<1x125x64xf32, #tpu.memory_space<vmem>> -> memref<125x64xf32, #tpu.memory_space<vmem>>
      %dma_wait3A_491 = arith.constant 0 : i32
      %dma_wait3A_492 = tpu.memref_slice %arg5[%add3A_484, %dma_wait3A_491] : memref<250x125xi32, #tpu.memory_space<vmem>> -> memref<1x125xi32, #tpu.memory_space<vmem>>
      %dma_wait3A_493 = tpu.memref_squeeze %dma_wait3A_492 : memref<1x125xi32, #tpu.memory_space<vmem>> -> memref<125xi32, #tpu.memory_space<vmem>>
      %dma_wait3A_494 = arith.constant 0 : i32
      %dma_wait3A_495 = arith.constant 0 : i32
      %dma_wait3A_496 = tpu.memref_slice %arg2[%dma_wait3A_494, %dma_wait3A_495] : memref<1000000x64xf32, #tpu.memory_space<hbm>> -> memref<1000000x64xf32, #tpu.memory_space<hbm>>
      %dma_wait3A_497 = tpu.memref_slice %arg7[%dma_wait3A_486] : memref<10x!tpu.dma_semaphore, #tpu.memory_space<semaphore_mem>> -> memref<1x!tpu.dma_semaphore, #tpu.memory_space<semaphore_mem>>
      %dma_wait3A_498 = tpu.memref_squeeze %dma_wait3A_497 : memref<1x!tpu.dma_semaphore, #tpu.memory_space<semaphore_mem>> -> memref<!tpu.dma_semaphore, #tpu.memory_space<semaphore_mem>>
      tpu.wait_indirect_dma semaphore(%dma_wait3A_498 : memref<!tpu.dma_semaphore, #tpu.memory_space<semaphore_mem>>) src(%dma_wait3A_496 : memref<1000000x64xf32, #tpu.memory_space<hbm>>) dst(%dma_wait3A_490 : memref<125x64xf32, #tpu.memory_space<vmem>>)
      %mul3A_499 = arith.constant 125 : i32
      %mul3A_500 = arith.muli %add3A_484, %mul3A_499 : i32
      %add3A_501 = arith.addi %mul3A_4, %mul3A_500 : i32
      %dma_start3A_502 = arith.constant 5 : i32
      %dma_start3A_503 = arith.constant 5 : i32
      %dma_start3A_504 = arith.constant 0 : i32
      %dma_start3A_505 = arith.constant 0 : i32
      %dma_start3A_506 = tpu.memref_slice %arg6[%dma_start3A_502, %dma_start3A_504, %dma_start3A_505] : memref<10x125x64xf32, #tpu.memory_space<vmem>> -> memref<1x125x64xf32, #tpu.memory_space<vmem>>
      %dma_start3A_507 = tpu.memref_squeeze %dma_start3A_506 : memref<1x125x64xf32, #tpu.memory_space<vmem>> -> memref<125x64xf32, #tpu.memory_space<vmem>>
      %dma_start3A_508 = arith.constant 0 : i32
      %dma_start3A_509 = tpu.memref_slice %arg4[%add3A_501, %dma_start3A_508] : memref<1000000x64xf32, #tpu.memory_space<hbm>> -> memref<125x64xf32, #tpu.memory_space<hbm>>
      %dma_start3A_510 = tpu.memref_slice %arg8[%dma_start3A_503] : memref<10x!tpu.dma_semaphore, #tpu.memory_space<semaphore_mem>> -> memref<1x!tpu.dma_semaphore, #tpu.memory_space<semaphore_mem>>
      %dma_start3A_511 = tpu.memref_squeeze %dma_start3A_510 : memref<1x!tpu.dma_semaphore, #tpu.memory_space<semaphore_mem>> -> memref<!tpu.dma_semaphore, #tpu.memory_space<semaphore_mem>>
      %dma_start3A_512 = arith.constant 0 : i32
      %dma_start3A_513 = tpu.memref_slice %arg4[%add3A_501, %dma_start3A_512] : memref<1000000x64xf32, #tpu.memory_space<hbm>> -> memref<125x64xf32, #tpu.memory_space<hbm>>
      %dma_start3A_514 = arith.constant 0 : i32
      %dma_start3A_515 = arith.constant 0 : i32
      %dma_start3A_516 = tpu.memref_slice %arg6[%dma_start3A_502, %dma_start3A_514, %dma_start3A_515] : memref<10x125x64xf32, #tpu.memory_space<vmem>> -> memref<1x125x64xf32, #tpu.memory_space<vmem>>
      %dma_start3A_517 = tpu.memref_squeeze %dma_start3A_516 : memref<1x125x64xf32, #tpu.memory_space<vmem>> -> memref<125x64xf32, #tpu.memory_space<vmem>>
      tpu.enqueue_dma source(%dma_start3A_517 : memref<125x64xf32, #tpu.memory_space<vmem>>) target(%dma_start3A_513 : memref<125x64xf32, #tpu.memory_space<hbm>>) target_semaphore(%dma_start3A_511 : memref<!tpu.dma_semaphore, #tpu.memory_space<semaphore_mem>>)
      %add3A_518 = arith.constant 5 : i32
      %add3A_519 = arith.addi %add3A_484, %add3A_518 : i32
      %lt3A_520 = arith.constant 250 : i32
      %lt3A_521 = arith.cmpi slt, %add3A_519, %lt3A_520 : i32
      %convert_element_type3A_522 = arith.extui %lt3A_521 : i1 to i32
      %cond3A_523 = arith.constant 0 : i32
      %cond3A_524 = arith.cmpi ne, %convert_element_type3A_522, %cond3A_523 : i32
      scf.if %cond3A_524 {
        %ge3A = arith.constant 10 : i32
        %ge3A_701 = arith.cmpi sge, %add3A_519, %ge3A : i32
        %convert_element_type3A_702 = arith.extui %ge3A_701 : i1 to i32
        %cond3A_703 = arith.constant 0 : i32
        %cond3A_704 = arith.cmpi ne, %convert_element_type3A_702, %cond3A_703 : i32
        scf.if %cond3A_704 {
          %sub3A = arith.constant 10 : i32
          %sub3A_719 = arith.subi %add3A_519, %sub3A : i32
          %mul3A_720 = arith.constant 125 : i32
          %mul3A_721 = arith.muli %sub3A_719, %mul3A_720 : i32
          %add3A_722 = arith.addi %mul3A_4, %mul3A_721 : i32
          %dma_wait3A_723 = arith.constant 0 : i32
          %dma_wait3A_724 = arith.constant 0 : i32
          %dma_wait3A_725 = arith.constant 0 : i32
          %dma_wait3A_726 = arith.constant 0 : i32
          %dma_wait3A_727 = tpu.memref_slice %arg6[%dma_wait3A_723, %dma_wait3A_725, %dma_wait3A_726] : memref<10x125x64xf32, #tpu.memory_space<vmem>> -> memref<1x125x64xf32, #tpu.memory_space<vmem>>
          %dma_wait3A_728 = tpu.memref_squeeze %dma_wait3A_727 : memref<1x125x64xf32, #tpu.memory_space<vmem>> -> memref<125x64xf32, #tpu.memory_space<vmem>>
          %dma_wait3A_729 = arith.constant 0 : i32
          %dma_wait3A_730 = tpu.memref_slice %arg4[%add3A_722, %dma_wait3A_729] : memref<1000000x64xf32, #tpu.memory_space<hbm>> -> memref<125x64xf32, #tpu.memory_space<hbm>>
          %dma_wait3A_731 = tpu.memref_slice %arg8[%dma_wait3A_724] : memref<10x!tpu.dma_semaphore, #tpu.memory_space<semaphore_mem>> -> memref<1x!tpu.dma_semaphore, #tpu.memory_space<semaphore_mem>>
          %dma_wait3A_732 = tpu.memref_squeeze %dma_wait3A_731 : memref<1x!tpu.dma_semaphore, #tpu.memory_space<semaphore_mem>> -> memref<!tpu.dma_semaphore, #tpu.memory_space<semaphore_mem>>
          %dma_wait3A_733 = arith.constant 0 : i32
          %dma_wait3A_734 = tpu.memref_slice %arg4[%add3A_722, %dma_wait3A_733] : memref<1000000x64xf32, #tpu.memory_space<hbm>> -> memref<125x64xf32, #tpu.memory_space<hbm>>
          %dma_wait3A_735 = arith.constant 0 : i32
          %dma_wait3A_736 = arith.constant 0 : i32
          %dma_wait3A_737 = tpu.memref_slice %arg6[%dma_wait3A_723, %dma_wait3A_735, %dma_wait3A_736] : memref<10x125x64xf32, #tpu.memory_space<vmem>> -> memref<1x125x64xf32, #tpu.memory_space<vmem>>
          %dma_wait3A_738 = tpu.memref_squeeze %dma_wait3A_737 : memref<1x125x64xf32, #tpu.memory_space<vmem>> -> memref<125x64xf32, #tpu.memory_space<vmem>>
          tpu.wait_dma2 semaphore(%dma_wait3A_732 : memref<!tpu.dma_semaphore, #tpu.memory_space<semaphore_mem>>) src(%dma_wait3A_738 : memref<125x64xf32, #tpu.memory_space<vmem>>) dst(%dma_wait3A_734 : memref<125x64xf32, #tpu.memory_space<hbm>>)
        } else {
        }
        %dma_start3A_705 = arith.constant 0 : i32
        %dma_start3A_706 = arith.constant 0 : i32
        %dma_start3A_707 = arith.constant 0 : i32
        %dma_start3A_708 = arith.constant 0 : i32
        %dma_start3A_709 = tpu.memref_slice %arg6[%dma_start3A_705, %dma_start3A_707, %dma_start3A_708] : memref<10x125x64xf32, #tpu.memory_space<vmem>> -> memref<1x125x64xf32, #tpu.memory_space<vmem>>
        %dma_start3A_710 = tpu.memref_squeeze %dma_start3A_709 : memref<1x125x64xf32, #tpu.memory_space<vmem>> -> memref<125x64xf32, #tpu.memory_space<vmem>>
        %dma_start3A_711 = arith.constant 0 : i32
        %dma_start3A_712 = tpu.memref_slice %arg5[%add3A_519, %dma_start3A_711] : memref<250x125xi32, #tpu.memory_space<vmem>> -> memref<1x125xi32, #tpu.memory_space<vmem>>
        %dma_start3A_713 = tpu.memref_squeeze %dma_start3A_712 : memref<1x125xi32, #tpu.memory_space<vmem>> -> memref<125xi32, #tpu.memory_space<vmem>>
        %dma_start3A_714 = arith.constant 0 : i32
        %dma_start3A_715 = arith.constant 0 : i32
        %dma_start3A_716 = tpu.memref_slice %arg2[%dma_start3A_714, %dma_start3A_715] : memref<1000000x64xf32, #tpu.memory_space<hbm>> -> memref<1000000x64xf32, #tpu.memory_space<hbm>>
        %dma_start3A_717 = tpu.memref_slice %arg7[%dma_start3A_706] : memref<10x!tpu.dma_semaphore, #tpu.memory_space<semaphore_mem>> -> memref<1x!tpu.dma_semaphore, #tpu.memory_space<semaphore_mem>>
        %dma_start3A_718 = tpu.memref_squeeze %dma_start3A_717 : memref<1x!tpu.dma_semaphore, #tpu.memory_space<semaphore_mem>> -> memref<!tpu.dma_semaphore, #tpu.memory_space<semaphore_mem>>
        tpu.enqueue_indirect_dma source(%dma_start3A_716 : memref<1000000x64xf32, #tpu.memory_space<hbm>>) target(%dma_start3A_710 : memref<125x64xf32, #tpu.memory_space<vmem>>) offsets(%dma_start3A_713 : memref<125xi32, #tpu.memory_space<vmem>>) semaphore(%dma_start3A_718 : memref<!tpu.dma_semaphore, #tpu.memory_space<semaphore_mem>>)
      } else {
      }
      %mul3A_525 = arith.constant 10 : i32
      %mul3A_526 = arith.muli %scan3A_263, %mul3A_525 : i32
      %add3A_527 = arith.constant 6 : i32
      %add3A_528 = arith.addi %mul3A_526, %add3A_527 : i32
      %dma_wait3A_529 = arith.constant 6 : i32
      %dma_wait3A_530 = arith.constant 6 : i32
      %dma_wait3A_531 = arith.constant 0 : i32
      %dma_wait3A_532 = arith.constant 0 : i32
      %dma_wait3A_533 = tpu.memref_slice %arg6[%dma_wait3A_529, %dma_wait3A_531, %dma_wait3A_532] : memref<10x125x64xf32, #tpu.memory_space<vmem>> -> memref<1x125x64xf32, #tpu.memory_space<vmem>>
      %dma_wait3A_534 = tpu.memref_squeeze %dma_wait3A_533 : memref<1x125x64xf32, #tpu.memory_space<vmem>> -> memref<125x64xf32, #tpu.memory_space<vmem>>
      %dma_wait3A_535 = arith.constant 0 : i32
      %dma_wait3A_536 = tpu.memref_slice %arg5[%add3A_528, %dma_wait3A_535] : memref<250x125xi32, #tpu.memory_space<vmem>> -> memref<1x125xi32, #tpu.memory_space<vmem>>
      %dma_wait3A_537 = tpu.memref_squeeze %dma_wait3A_536 : memref<1x125xi32, #tpu.memory_space<vmem>> -> memref<125xi32, #tpu.memory_space<vmem>>
      %dma_wait3A_538 = arith.constant 0 : i32
      %dma_wait3A_539 = arith.constant 0 : i32
      %dma_wait3A_540 = tpu.memref_slice %arg2[%dma_wait3A_538, %dma_wait3A_539] : memref<1000000x64xf32, #tpu.memory_space<hbm>> -> memref<1000000x64xf32, #tpu.memory_space<hbm>>
      %dma_wait3A_541 = tpu.memref_slice %arg7[%dma_wait3A_530] : memref<10x!tpu.dma_semaphore, #tpu.memory_space<semaphore_mem>> -> memref<1x!tpu.dma_semaphore, #tpu.memory_space<semaphore_mem>>
      %dma_wait3A_542 = tpu.memref_squeeze %dma_wait3A_541 : memref<1x!tpu.dma_semaphore, #tpu.memory_space<semaphore_mem>> -> memref<!tpu.dma_semaphore, #tpu.memory_space<semaphore_mem>>
      tpu.wait_indirect_dma semaphore(%dma_wait3A_542 : memref<!tpu.dma_semaphore, #tpu.memory_space<semaphore_mem>>) src(%dma_wait3A_540 : memref<1000000x64xf32, #tpu.memory_space<hbm>>) dst(%dma_wait3A_534 : memref<125x64xf32, #tpu.memory_space<vmem>>)
      %mul3A_543 = arith.constant 125 : i32
      %mul3A_544 = arith.muli %add3A_528, %mul3A_543 : i32
      %add3A_545 = arith.addi %mul3A_4, %mul3A_544 : i32
      %dma_start3A_546 = arith.constant 6 : i32
      %dma_start3A_547 = arith.constant 6 : i32
      %dma_start3A_548 = arith.constant 0 : i32
      %dma_start3A_549 = arith.constant 0 : i32
      %dma_start3A_550 = tpu.memref_slice %arg6[%dma_start3A_546, %dma_start3A_548, %dma_start3A_549] : memref<10x125x64xf32, #tpu.memory_space<vmem>> -> memref<1x125x64xf32, #tpu.memory_space<vmem>>
      %dma_start3A_551 = tpu.memref_squeeze %dma_start3A_550 : memref<1x125x64xf32, #tpu.memory_space<vmem>> -> memref<125x64xf32, #tpu.memory_space<vmem>>
      %dma_start3A_552 = arith.constant 0 : i32
      %dma_start3A_553 = tpu.memref_slice %arg4[%add3A_545, %dma_start3A_552] : memref<1000000x64xf32, #tpu.memory_space<hbm>> -> memref<125x64xf32, #tpu.memory_space<hbm>>
      %dma_start3A_554 = tpu.memref_slice %arg8[%dma_start3A_547] : memref<10x!tpu.dma_semaphore, #tpu.memory_space<semaphore_mem>> -> memref<1x!tpu.dma_semaphore, #tpu.memory_space<semaphore_mem>>
      %dma_start3A_555 = tpu.memref_squeeze %dma_start3A_554 : memref<1x!tpu.dma_semaphore, #tpu.memory_space<semaphore_mem>> -> memref<!tpu.dma_semaphore, #tpu.memory_space<semaphore_mem>>
      %dma_start3A_556 = arith.constant 0 : i32
      %dma_start3A_557 = tpu.memref_slice %arg4[%add3A_545, %dma_start3A_556] : memref<1000000x64xf32, #tpu.memory_space<hbm>> -> memref<125x64xf32, #tpu.memory_space<hbm>>
      %dma_start3A_558 = arith.constant 0 : i32
      %dma_start3A_559 = arith.constant 0 : i32
      %dma_start3A_560 = tpu.memref_slice %arg6[%dma_start3A_546, %dma_start3A_558, %dma_start3A_559] : memref<10x125x64xf32, #tpu.memory_space<vmem>> -> memref<1x125x64xf32, #tpu.memory_space<vmem>>
      %dma_start3A_561 = tpu.memref_squeeze %dma_start3A_560 : memref<1x125x64xf32, #tpu.memory_space<vmem>> -> memref<125x64xf32, #tpu.memory_space<vmem>>
      tpu.enqueue_dma source(%dma_start3A_561 : memref<125x64xf32, #tpu.memory_space<vmem>>) target(%dma_start3A_557 : memref<125x64xf32, #tpu.memory_space<hbm>>) target_semaphore(%dma_start3A_555 : memref<!tpu.dma_semaphore, #tpu.memory_space<semaphore_mem>>)
      %add3A_562 = arith.constant 5 : i32
      %add3A_563 = arith.addi %add3A_528, %add3A_562 : i32
      %lt3A_564 = arith.constant 250 : i32
      %lt3A_565 = arith.cmpi slt, %add3A_563, %lt3A_564 : i32
      %convert_element_type3A_566 = arith.extui %lt3A_565 : i1 to i32
      %cond3A_567 = arith.constant 0 : i32
      %cond3A_568 = arith.cmpi ne, %convert_element_type3A_566, %cond3A_567 : i32
      scf.if %cond3A_568 {
        %ge3A = arith.constant 10 : i32
        %ge3A_701 = arith.cmpi sge, %add3A_563, %ge3A : i32
        %convert_element_type3A_702 = arith.extui %ge3A_701 : i1 to i32
        %cond3A_703 = arith.constant 0 : i32
        %cond3A_704 = arith.cmpi ne, %convert_element_type3A_702, %cond3A_703 : i32
        scf.if %cond3A_704 {
          %sub3A = arith.constant 10 : i32
          %sub3A_719 = arith.subi %add3A_563, %sub3A : i32
          %mul3A_720 = arith.constant 125 : i32
          %mul3A_721 = arith.muli %sub3A_719, %mul3A_720 : i32
          %add3A_722 = arith.addi %mul3A_4, %mul3A_721 : i32
          %dma_wait3A_723 = arith.constant 1 : i32
          %dma_wait3A_724 = arith.constant 1 : i32
          %dma_wait3A_725 = arith.constant 0 : i32
          %dma_wait3A_726 = arith.constant 0 : i32
          %dma_wait3A_727 = tpu.memref_slice %arg6[%dma_wait3A_723, %dma_wait3A_725, %dma_wait3A_726] : memref<10x125x64xf32, #tpu.memory_space<vmem>> -> memref<1x125x64xf32, #tpu.memory_space<vmem>>
          %dma_wait3A_728 = tpu.memref_squeeze %dma_wait3A_727 : memref<1x125x64xf32, #tpu.memory_space<vmem>> -> memref<125x64xf32, #tpu.memory_space<vmem>>
          %dma_wait3A_729 = arith.constant 0 : i32
          %dma_wait3A_730 = tpu.memref_slice %arg4[%add3A_722, %dma_wait3A_729] : memref<1000000x64xf32, #tpu.memory_space<hbm>> -> memref<125x64xf32, #tpu.memory_space<hbm>>
          %dma_wait3A_731 = tpu.memref_slice %arg8[%dma_wait3A_724] : memref<10x!tpu.dma_semaphore, #tpu.memory_space<semaphore_mem>> -> memref<1x!tpu.dma_semaphore, #tpu.memory_space<semaphore_mem>>
          %dma_wait3A_732 = tpu.memref_squeeze %dma_wait3A_731 : memref<1x!tpu.dma_semaphore, #tpu.memory_space<semaphore_mem>> -> memref<!tpu.dma_semaphore, #tpu.memory_space<semaphore_mem>>
          %dma_wait3A_733 = arith.constant 0 : i32
          %dma_wait3A_734 = tpu.memref_slice %arg4[%add3A_722, %dma_wait3A_733] : memref<1000000x64xf32, #tpu.memory_space<hbm>> -> memref<125x64xf32, #tpu.memory_space<hbm>>
          %dma_wait3A_735 = arith.constant 0 : i32
          %dma_wait3A_736 = arith.constant 0 : i32
          %dma_wait3A_737 = tpu.memref_slice %arg6[%dma_wait3A_723, %dma_wait3A_735, %dma_wait3A_736] : memref<10x125x64xf32, #tpu.memory_space<vmem>> -> memref<1x125x64xf32, #tpu.memory_space<vmem>>
          %dma_wait3A_738 = tpu.memref_squeeze %dma_wait3A_737 : memref<1x125x64xf32, #tpu.memory_space<vmem>> -> memref<125x64xf32, #tpu.memory_space<vmem>>
          tpu.wait_dma2 semaphore(%dma_wait3A_732 : memref<!tpu.dma_semaphore, #tpu.memory_space<semaphore_mem>>) src(%dma_wait3A_738 : memref<125x64xf32, #tpu.memory_space<vmem>>) dst(%dma_wait3A_734 : memref<125x64xf32, #tpu.memory_space<hbm>>)
        } else {
        }
        %dma_start3A_705 = arith.constant 1 : i32
        %dma_start3A_706 = arith.constant 1 : i32
        %dma_start3A_707 = arith.constant 0 : i32
        %dma_start3A_708 = arith.constant 0 : i32
        %dma_start3A_709 = tpu.memref_slice %arg6[%dma_start3A_705, %dma_start3A_707, %dma_start3A_708] : memref<10x125x64xf32, #tpu.memory_space<vmem>> -> memref<1x125x64xf32, #tpu.memory_space<vmem>>
        %dma_start3A_710 = tpu.memref_squeeze %dma_start3A_709 : memref<1x125x64xf32, #tpu.memory_space<vmem>> -> memref<125x64xf32, #tpu.memory_space<vmem>>
        %dma_start3A_711 = arith.constant 0 : i32
        %dma_start3A_712 = tpu.memref_slice %arg5[%add3A_563, %dma_start3A_711] : memref<250x125xi32, #tpu.memory_space<vmem>> -> memref<1x125xi32, #tpu.memory_space<vmem>>
        %dma_start3A_713 = tpu.memref_squeeze %dma_start3A_712 : memref<1x125xi32, #tpu.memory_space<vmem>> -> memref<125xi32, #tpu.memory_space<vmem>>
        %dma_start3A_714 = arith.constant 0 : i32
        %dma_start3A_715 = arith.constant 0 : i32
        %dma_start3A_716 = tpu.memref_slice %arg2[%dma_start3A_714, %dma_start3A_715] : memref<1000000x64xf32, #tpu.memory_space<hbm>> -> memref<1000000x64xf32, #tpu.memory_space<hbm>>
        %dma_start3A_717 = tpu.memref_slice %arg7[%dma_start3A_706] : memref<10x!tpu.dma_semaphore, #tpu.memory_space<semaphore_mem>> -> memref<1x!tpu.dma_semaphore, #tpu.memory_space<semaphore_mem>>
        %dma_start3A_718 = tpu.memref_squeeze %dma_start3A_717 : memref<1x!tpu.dma_semaphore, #tpu.memory_space<semaphore_mem>> -> memref<!tpu.dma_semaphore, #tpu.memory_space<semaphore_mem>>
        tpu.enqueue_indirect_dma source(%dma_start3A_716 : memref<1000000x64xf32, #tpu.memory_space<hbm>>) target(%dma_start3A_710 : memref<125x64xf32, #tpu.memory_space<vmem>>) offsets(%dma_start3A_713 : memref<125xi32, #tpu.memory_space<vmem>>) semaphore(%dma_start3A_718 : memref<!tpu.dma_semaphore, #tpu.memory_space<semaphore_mem>>)
      } else {
      }
      %mul3A_569 = arith.constant 10 : i32
      %mul3A_570 = arith.muli %scan3A_263, %mul3A_569 : i32
      %add3A_571 = arith.constant 7 : i32
      %add3A_572 = arith.addi %mul3A_570, %add3A_571 : i32
      %dma_wait3A_573 = arith.constant 7 : i32
      %dma_wait3A_574 = arith.constant 7 : i32
      %dma_wait3A_575 = arith.constant 0 : i32
      %dma_wait3A_576 = arith.constant 0 : i32
      %dma_wait3A_577 = tpu.memref_slice %arg6[%dma_wait3A_573, %dma_wait3A_575, %dma_wait3A_576] : memref<10x125x64xf32, #tpu.memory_space<vmem>> -> memref<1x125x64xf32, #tpu.memory_space<vmem>>
      %dma_wait3A_578 = tpu.memref_squeeze %dma_wait3A_577 : memref<1x125x64xf32, #tpu.memory_space<vmem>> -> memref<125x64xf32, #tpu.memory_space<vmem>>
      %dma_wait3A_579 = arith.constant 0 : i32
      %dma_wait3A_580 = tpu.memref_slice %arg5[%add3A_572, %dma_wait3A_579] : memref<250x125xi32, #tpu.memory_space<vmem>> -> memref<1x125xi32, #tpu.memory_space<vmem>>
      %dma_wait3A_581 = tpu.memref_squeeze %dma_wait3A_580 : memref<1x125xi32, #tpu.memory_space<vmem>> -> memref<125xi32, #tpu.memory_space<vmem>>
      %dma_wait3A_582 = arith.constant 0 : i32
      %dma_wait3A_583 = arith.constant 0 : i32
      %dma_wait3A_584 = tpu.memref_slice %arg2[%dma_wait3A_582, %dma_wait3A_583] : memref<1000000x64xf32, #tpu.memory_space<hbm>> -> memref<1000000x64xf32, #tpu.memory_space<hbm>>
      %dma_wait3A_585 = tpu.memref_slice %arg7[%dma_wait3A_574] : memref<10x!tpu.dma_semaphore, #tpu.memory_space<semaphore_mem>> -> memref<1x!tpu.dma_semaphore, #tpu.memory_space<semaphore_mem>>
      %dma_wait3A_586 = tpu.memref_squeeze %dma_wait3A_585 : memref<1x!tpu.dma_semaphore, #tpu.memory_space<semaphore_mem>> -> memref<!tpu.dma_semaphore, #tpu.memory_space<semaphore_mem>>
      tpu.wait_indirect_dma semaphore(%dma_wait3A_586 : memref<!tpu.dma_semaphore, #tpu.memory_space<semaphore_mem>>) src(%dma_wait3A_584 : memref<1000000x64xf32, #tpu.memory_space<hbm>>) dst(%dma_wait3A_578 : memref<125x64xf32, #tpu.memory_space<vmem>>)
      %mul3A_587 = arith.constant 125 : i32
      %mul3A_588 = arith.muli %add3A_572, %mul3A_587 : i32
      %add3A_589 = arith.addi %mul3A_4, %mul3A_588 : i32
      %dma_start3A_590 = arith.constant 7 : i32
      %dma_start3A_591 = arith.constant 7 : i32
      %dma_start3A_592 = arith.constant 0 : i32
      %dma_start3A_593 = arith.constant 0 : i32
      %dma_start3A_594 = tpu.memref_slice %arg6[%dma_start3A_590, %dma_start3A_592, %dma_start3A_593] : memref<10x125x64xf32, #tpu.memory_space<vmem>> -> memref<1x125x64xf32, #tpu.memory_space<vmem>>
      %dma_start3A_595 = tpu.memref_squeeze %dma_start3A_594 : memref<1x125x64xf32, #tpu.memory_space<vmem>> -> memref<125x64xf32, #tpu.memory_space<vmem>>
      %dma_start3A_596 = arith.constant 0 : i32
      %dma_start3A_597 = tpu.memref_slice %arg4[%add3A_589, %dma_start3A_596] : memref<1000000x64xf32, #tpu.memory_space<hbm>> -> memref<125x64xf32, #tpu.memory_space<hbm>>
      %dma_start3A_598 = tpu.memref_slice %arg8[%dma_start3A_591] : memref<10x!tpu.dma_semaphore, #tpu.memory_space<semaphore_mem>> -> memref<1x!tpu.dma_semaphore, #tpu.memory_space<semaphore_mem>>
      %dma_start3A_599 = tpu.memref_squeeze %dma_start3A_598 : memref<1x!tpu.dma_semaphore, #tpu.memory_space<semaphore_mem>> -> memref<!tpu.dma_semaphore, #tpu.memory_space<semaphore_mem>>
      %dma_start3A_600 = arith.constant 0 : i32
      %dma_start3A_601 = tpu.memref_slice %arg4[%add3A_589, %dma_start3A_600] : memref<1000000x64xf32, #tpu.memory_space<hbm>> -> memref<125x64xf32, #tpu.memory_space<hbm>>
      %dma_start3A_602 = arith.constant 0 : i32
      %dma_start3A_603 = arith.constant 0 : i32
      %dma_start3A_604 = tpu.memref_slice %arg6[%dma_start3A_590, %dma_start3A_602, %dma_start3A_603] : memref<10x125x64xf32, #tpu.memory_space<vmem>> -> memref<1x125x64xf32, #tpu.memory_space<vmem>>
      %dma_start3A_605 = tpu.memref_squeeze %dma_start3A_604 : memref<1x125x64xf32, #tpu.memory_space<vmem>> -> memref<125x64xf32, #tpu.memory_space<vmem>>
      tpu.enqueue_dma source(%dma_start3A_605 : memref<125x64xf32, #tpu.memory_space<vmem>>) target(%dma_start3A_601 : memref<125x64xf32, #tpu.memory_space<hbm>>) target_semaphore(%dma_start3A_599 : memref<!tpu.dma_semaphore, #tpu.memory_space<semaphore_mem>>)
      %add3A_606 = arith.constant 5 : i32
      %add3A_607 = arith.addi %add3A_572, %add3A_606 : i32
      %lt3A_608 = arith.constant 250 : i32
      %lt3A_609 = arith.cmpi slt, %add3A_607, %lt3A_608 : i32
      %convert_element_type3A_610 = arith.extui %lt3A_609 : i1 to i32
      %cond3A_611 = arith.constant 0 : i32
      %cond3A_612 = arith.cmpi ne, %convert_element_type3A_610, %cond3A_611 : i32
      scf.if %cond3A_612 {
        %ge3A = arith.constant 10 : i32
        %ge3A_701 = arith.cmpi sge, %add3A_607, %ge3A : i32
        %convert_element_type3A_702 = arith.extui %ge3A_701 : i1 to i32
        %cond3A_703 = arith.constant 0 : i32
        %cond3A_704 = arith.cmpi ne, %convert_element_type3A_702, %cond3A_703 : i32
        scf.if %cond3A_704 {
          %sub3A = arith.constant 10 : i32
          %sub3A_719 = arith.subi %add3A_607, %sub3A : i32
          %mul3A_720 = arith.constant 125 : i32
          %mul3A_721 = arith.muli %sub3A_719, %mul3A_720 : i32
          %add3A_722 = arith.addi %mul3A_4, %mul3A_721 : i32
          %dma_wait3A_723 = arith.constant 2 : i32
          %dma_wait3A_724 = arith.constant 2 : i32
          %dma_wait3A_725 = arith.constant 0 : i32
          %dma_wait3A_726 = arith.constant 0 : i32
          %dma_wait3A_727 = tpu.memref_slice %arg6[%dma_wait3A_723, %dma_wait3A_725, %dma_wait3A_726] : memref<10x125x64xf32, #tpu.memory_space<vmem>> -> memref<1x125x64xf32, #tpu.memory_space<vmem>>
          %dma_wait3A_728 = tpu.memref_squeeze %dma_wait3A_727 : memref<1x125x64xf32, #tpu.memory_space<vmem>> -> memref<125x64xf32, #tpu.memory_space<vmem>>
          %dma_wait3A_729 = arith.constant 0 : i32
          %dma_wait3A_730 = tpu.memref_slice %arg4[%add3A_722, %dma_wait3A_729] : memref<1000000x64xf32, #tpu.memory_space<hbm>> -> memref<125x64xf32, #tpu.memory_space<hbm>>
          %dma_wait3A_731 = tpu.memref_slice %arg8[%dma_wait3A_724] : memref<10x!tpu.dma_semaphore, #tpu.memory_space<semaphore_mem>> -> memref<1x!tpu.dma_semaphore, #tpu.memory_space<semaphore_mem>>
          %dma_wait3A_732 = tpu.memref_squeeze %dma_wait3A_731 : memref<1x!tpu.dma_semaphore, #tpu.memory_space<semaphore_mem>> -> memref<!tpu.dma_semaphore, #tpu.memory_space<semaphore_mem>>
          %dma_wait3A_733 = arith.constant 0 : i32
          %dma_wait3A_734 = tpu.memref_slice %arg4[%add3A_722, %dma_wait3A_733] : memref<1000000x64xf32, #tpu.memory_space<hbm>> -> memref<125x64xf32, #tpu.memory_space<hbm>>
          %dma_wait3A_735 = arith.constant 0 : i32
          %dma_wait3A_736 = arith.constant 0 : i32
          %dma_wait3A_737 = tpu.memref_slice %arg6[%dma_wait3A_723, %dma_wait3A_735, %dma_wait3A_736] : memref<10x125x64xf32, #tpu.memory_space<vmem>> -> memref<1x125x64xf32, #tpu.memory_space<vmem>>
          %dma_wait3A_738 = tpu.memref_squeeze %dma_wait3A_737 : memref<1x125x64xf32, #tpu.memory_space<vmem>> -> memref<125x64xf32, #tpu.memory_space<vmem>>
          tpu.wait_dma2 semaphore(%dma_wait3A_732 : memref<!tpu.dma_semaphore, #tpu.memory_space<semaphore_mem>>) src(%dma_wait3A_738 : memref<125x64xf32, #tpu.memory_space<vmem>>) dst(%dma_wait3A_734 : memref<125x64xf32, #tpu.memory_space<hbm>>)
        } else {
        }
        %dma_start3A_705 = arith.constant 2 : i32
        %dma_start3A_706 = arith.constant 2 : i32
        %dma_start3A_707 = arith.constant 0 : i32
        %dma_start3A_708 = arith.constant 0 : i32
        %dma_start3A_709 = tpu.memref_slice %arg6[%dma_start3A_705, %dma_start3A_707, %dma_start3A_708] : memref<10x125x64xf32, #tpu.memory_space<vmem>> -> memref<1x125x64xf32, #tpu.memory_space<vmem>>
        %dma_start3A_710 = tpu.memref_squeeze %dma_start3A_709 : memref<1x125x64xf32, #tpu.memory_space<vmem>> -> memref<125x64xf32, #tpu.memory_space<vmem>>
        %dma_start3A_711 = arith.constant 0 : i32
        %dma_start3A_712 = tpu.memref_slice %arg5[%add3A_607, %dma_start3A_711] : memref<250x125xi32, #tpu.memory_space<vmem>> -> memref<1x125xi32, #tpu.memory_space<vmem>>
        %dma_start3A_713 = tpu.memref_squeeze %dma_start3A_712 : memref<1x125xi32, #tpu.memory_space<vmem>> -> memref<125xi32, #tpu.memory_space<vmem>>
        %dma_start3A_714 = arith.constant 0 : i32
        %dma_start3A_715 = arith.constant 0 : i32
        %dma_start3A_716 = tpu.memref_slice %arg2[%dma_start3A_714, %dma_start3A_715] : memref<1000000x64xf32, #tpu.memory_space<hbm>> -> memref<1000000x64xf32, #tpu.memory_space<hbm>>
        %dma_start3A_717 = tpu.memref_slice %arg7[%dma_start3A_706] : memref<10x!tpu.dma_semaphore, #tpu.memory_space<semaphore_mem>> -> memref<1x!tpu.dma_semaphore, #tpu.memory_space<semaphore_mem>>
        %dma_start3A_718 = tpu.memref_squeeze %dma_start3A_717 : memref<1x!tpu.dma_semaphore, #tpu.memory_space<semaphore_mem>> -> memref<!tpu.dma_semaphore, #tpu.memory_space<semaphore_mem>>
        tpu.enqueue_indirect_dma source(%dma_start3A_716 : memref<1000000x64xf32, #tpu.memory_space<hbm>>) target(%dma_start3A_710 : memref<125x64xf32, #tpu.memory_space<vmem>>) offsets(%dma_start3A_713 : memref<125xi32, #tpu.memory_space<vmem>>) semaphore(%dma_start3A_718 : memref<!tpu.dma_semaphore, #tpu.memory_space<semaphore_mem>>)
      } else {
      }
      %mul3A_613 = arith.constant 10 : i32
      %mul3A_614 = arith.muli %scan3A_263, %mul3A_613 : i32
      %add3A_615 = arith.constant 8 : i32
      %add3A_616 = arith.addi %mul3A_614, %add3A_615 : i32
      %dma_wait3A_617 = arith.constant 8 : i32
      %dma_wait3A_618 = arith.constant 8 : i32
      %dma_wait3A_619 = arith.constant 0 : i32
      %dma_wait3A_620 = arith.constant 0 : i32
      %dma_wait3A_621 = tpu.memref_slice %arg6[%dma_wait3A_617, %dma_wait3A_619, %dma_wait3A_620] : memref<10x125x64xf32, #tpu.memory_space<vmem>> -> memref<1x125x64xf32, #tpu.memory_space<vmem>>
      %dma_wait3A_622 = tpu.memref_squeeze %dma_wait3A_621 : memref<1x125x64xf32, #tpu.memory_space<vmem>> -> memref<125x64xf32, #tpu.memory_space<vmem>>
      %dma_wait3A_623 = arith.constant 0 : i32
      %dma_wait3A_624 = tpu.memref_slice %arg5[%add3A_616, %dma_wait3A_623] : memref<250x125xi32, #tpu.memory_space<vmem>> -> memref<1x125xi32, #tpu.memory_space<vmem>>
      %dma_wait3A_625 = tpu.memref_squeeze %dma_wait3A_624 : memref<1x125xi32, #tpu.memory_space<vmem>> -> memref<125xi32, #tpu.memory_space<vmem>>
      %dma_wait3A_626 = arith.constant 0 : i32
      %dma_wait3A_627 = arith.constant 0 : i32
      %dma_wait3A_628 = tpu.memref_slice %arg2[%dma_wait3A_626, %dma_wait3A_627] : memref<1000000x64xf32, #tpu.memory_space<hbm>> -> memref<1000000x64xf32, #tpu.memory_space<hbm>>
      %dma_wait3A_629 = tpu.memref_slice %arg7[%dma_wait3A_618] : memref<10x!tpu.dma_semaphore, #tpu.memory_space<semaphore_mem>> -> memref<1x!tpu.dma_semaphore, #tpu.memory_space<semaphore_mem>>
      %dma_wait3A_630 = tpu.memref_squeeze %dma_wait3A_629 : memref<1x!tpu.dma_semaphore, #tpu.memory_space<semaphore_mem>> -> memref<!tpu.dma_semaphore, #tpu.memory_space<semaphore_mem>>
      tpu.wait_indirect_dma semaphore(%dma_wait3A_630 : memref<!tpu.dma_semaphore, #tpu.memory_space<semaphore_mem>>) src(%dma_wait3A_628 : memref<1000000x64xf32, #tpu.memory_space<hbm>>) dst(%dma_wait3A_622 : memref<125x64xf32, #tpu.memory_space<vmem>>)
      %mul3A_631 = arith.constant 125 : i32
      %mul3A_632 = arith.muli %add3A_616, %mul3A_631 : i32
      %add3A_633 = arith.addi %mul3A_4, %mul3A_632 : i32
      %dma_start3A_634 = arith.constant 8 : i32
      %dma_start3A_635 = arith.constant 8 : i32
      %dma_start3A_636 = arith.constant 0 : i32
      %dma_start3A_637 = arith.constant 0 : i32
      %dma_start3A_638 = tpu.memref_slice %arg6[%dma_start3A_634, %dma_start3A_636, %dma_start3A_637] : memref<10x125x64xf32, #tpu.memory_space<vmem>> -> memref<1x125x64xf32, #tpu.memory_space<vmem>>
      %dma_start3A_639 = tpu.memref_squeeze %dma_start3A_638 : memref<1x125x64xf32, #tpu.memory_space<vmem>> -> memref<125x64xf32, #tpu.memory_space<vmem>>
      %dma_start3A_640 = arith.constant 0 : i32
      %dma_start3A_641 = tpu.memref_slice %arg4[%add3A_633, %dma_start3A_640] : memref<1000000x64xf32, #tpu.memory_space<hbm>> -> memref<125x64xf32, #tpu.memory_space<hbm>>
      %dma_start3A_642 = tpu.memref_slice %arg8[%dma_start3A_635] : memref<10x!tpu.dma_semaphore, #tpu.memory_space<semaphore_mem>> -> memref<1x!tpu.dma_semaphore, #tpu.memory_space<semaphore_mem>>
      %dma_start3A_643 = tpu.memref_squeeze %dma_start3A_642 : memref<1x!tpu.dma_semaphore, #tpu.memory_space<semaphore_mem>> -> memref<!tpu.dma_semaphore, #tpu.memory_space<semaphore_mem>>
      %dma_start3A_644 = arith.constant 0 : i32
      %dma_start3A_645 = tpu.memref_slice %arg4[%add3A_633, %dma_start3A_644] : memref<1000000x64xf32, #tpu.memory_space<hbm>> -> memref<125x64xf32, #tpu.memory_space<hbm>>
      %dma_start3A_646 = arith.constant 0 : i32
      %dma_start3A_647 = arith.constant 0 : i32
      %dma_start3A_648 = tpu.memref_slice %arg6[%dma_start3A_634, %dma_start3A_646, %dma_start3A_647] : memref<10x125x64xf32, #tpu.memory_space<vmem>> -> memref<1x125x64xf32, #tpu.memory_space<vmem>>
      %dma_start3A_649 = tpu.memref_squeeze %dma_start3A_648 : memref<1x125x64xf32, #tpu.memory_space<vmem>> -> memref<125x64xf32, #tpu.memory_space<vmem>>
      tpu.enqueue_dma source(%dma_start3A_649 : memref<125x64xf32, #tpu.memory_space<vmem>>) target(%dma_start3A_645 : memref<125x64xf32, #tpu.memory_space<hbm>>) target_semaphore(%dma_start3A_643 : memref<!tpu.dma_semaphore, #tpu.memory_space<semaphore_mem>>)
      %add3A_650 = arith.constant 5 : i32
      %add3A_651 = arith.addi %add3A_616, %add3A_650 : i32
      %lt3A_652 = arith.constant 250 : i32
      %lt3A_653 = arith.cmpi slt, %add3A_651, %lt3A_652 : i32
      %convert_element_type3A_654 = arith.extui %lt3A_653 : i1 to i32
      %cond3A_655 = arith.constant 0 : i32
      %cond3A_656 = arith.cmpi ne, %convert_element_type3A_654, %cond3A_655 : i32
      scf.if %cond3A_656 {
        %ge3A = arith.constant 10 : i32
        %ge3A_701 = arith.cmpi sge, %add3A_651, %ge3A : i32
        %convert_element_type3A_702 = arith.extui %ge3A_701 : i1 to i32
        %cond3A_703 = arith.constant 0 : i32
        %cond3A_704 = arith.cmpi ne, %convert_element_type3A_702, %cond3A_703 : i32
        scf.if %cond3A_704 {
          %sub3A = arith.constant 10 : i32
          %sub3A_719 = arith.subi %add3A_651, %sub3A : i32
          %mul3A_720 = arith.constant 125 : i32
          %mul3A_721 = arith.muli %sub3A_719, %mul3A_720 : i32
          %add3A_722 = arith.addi %mul3A_4, %mul3A_721 : i32
          %dma_wait3A_723 = arith.constant 3 : i32
          %dma_wait3A_724 = arith.constant 3 : i32
          %dma_wait3A_725 = arith.constant 0 : i32
          %dma_wait3A_726 = arith.constant 0 : i32
          %dma_wait3A_727 = tpu.memref_slice %arg6[%dma_wait3A_723, %dma_wait3A_725, %dma_wait3A_726] : memref<10x125x64xf32, #tpu.memory_space<vmem>> -> memref<1x125x64xf32, #tpu.memory_space<vmem>>
          %dma_wait3A_728 = tpu.memref_squeeze %dma_wait3A_727 : memref<1x125x64xf32, #tpu.memory_space<vmem>> -> memref<125x64xf32, #tpu.memory_space<vmem>>
          %dma_wait3A_729 = arith.constant 0 : i32
          %dma_wait3A_730 = tpu.memref_slice %arg4[%add3A_722, %dma_wait3A_729] : memref<1000000x64xf32, #tpu.memory_space<hbm>> -> memref<125x64xf32, #tpu.memory_space<hbm>>
          %dma_wait3A_731 = tpu.memref_slice %arg8[%dma_wait3A_724] : memref<10x!tpu.dma_semaphore, #tpu.memory_space<semaphore_mem>> -> memref<1x!tpu.dma_semaphore, #tpu.memory_space<semaphore_mem>>
          %dma_wait3A_732 = tpu.memref_squeeze %dma_wait3A_731 : memref<1x!tpu.dma_semaphore, #tpu.memory_space<semaphore_mem>> -> memref<!tpu.dma_semaphore, #tpu.memory_space<semaphore_mem>>
          %dma_wait3A_733 = arith.constant 0 : i32
          %dma_wait3A_734 = tpu.memref_slice %arg4[%add3A_722, %dma_wait3A_733] : memref<1000000x64xf32, #tpu.memory_space<hbm>> -> memref<125x64xf32, #tpu.memory_space<hbm>>
          %dma_wait3A_735 = arith.constant 0 : i32
          %dma_wait3A_736 = arith.constant 0 : i32
          %dma_wait3A_737 = tpu.memref_slice %arg6[%dma_wait3A_723, %dma_wait3A_735, %dma_wait3A_736] : memref<10x125x64xf32, #tpu.memory_space<vmem>> -> memref<1x125x64xf32, #tpu.memory_space<vmem>>
          %dma_wait3A_738 = tpu.memref_squeeze %dma_wait3A_737 : memref<1x125x64xf32, #tpu.memory_space<vmem>> -> memref<125x64xf32, #tpu.memory_space<vmem>>
          tpu.wait_dma2 semaphore(%dma_wait3A_732 : memref<!tpu.dma_semaphore, #tpu.memory_space<semaphore_mem>>) src(%dma_wait3A_738 : memref<125x64xf32, #tpu.memory_space<vmem>>) dst(%dma_wait3A_734 : memref<125x64xf32, #tpu.memory_space<hbm>>)
        } else {
        }
        %dma_start3A_705 = arith.constant 3 : i32
        %dma_start3A_706 = arith.constant 3 : i32
        %dma_start3A_707 = arith.constant 0 : i32
        %dma_start3A_708 = arith.constant 0 : i32
        %dma_start3A_709 = tpu.memref_slice %arg6[%dma_start3A_705, %dma_start3A_707, %dma_start3A_708] : memref<10x125x64xf32, #tpu.memory_space<vmem>> -> memref<1x125x64xf32, #tpu.memory_space<vmem>>
        %dma_start3A_710 = tpu.memref_squeeze %dma_start3A_709 : memref<1x125x64xf32, #tpu.memory_space<vmem>> -> memref<125x64xf32, #tpu.memory_space<vmem>>
        %dma_start3A_711 = arith.constant 0 : i32
        %dma_start3A_712 = tpu.memref_slice %arg5[%add3A_651, %dma_start3A_711] : memref<250x125xi32, #tpu.memory_space<vmem>> -> memref<1x125xi32, #tpu.memory_space<vmem>>
        %dma_start3A_713 = tpu.memref_squeeze %dma_start3A_712 : memref<1x125xi32, #tpu.memory_space<vmem>> -> memref<125xi32, #tpu.memory_space<vmem>>
        %dma_start3A_714 = arith.constant 0 : i32
        %dma_start3A_715 = arith.constant 0 : i32
        %dma_start3A_716 = tpu.memref_slice %arg2[%dma_start3A_714, %dma_start3A_715] : memref<1000000x64xf32, #tpu.memory_space<hbm>> -> memref<1000000x64xf32, #tpu.memory_space<hbm>>
        %dma_start3A_717 = tpu.memref_slice %arg7[%dma_start3A_706] : memref<10x!tpu.dma_semaphore, #tpu.memory_space<semaphore_mem>> -> memref<1x!tpu.dma_semaphore, #tpu.memory_space<semaphore_mem>>
        %dma_start3A_718 = tpu.memref_squeeze %dma_start3A_717 : memref<1x!tpu.dma_semaphore, #tpu.memory_space<semaphore_mem>> -> memref<!tpu.dma_semaphore, #tpu.memory_space<semaphore_mem>>
        tpu.enqueue_indirect_dma source(%dma_start3A_716 : memref<1000000x64xf32, #tpu.memory_space<hbm>>) target(%dma_start3A_710 : memref<125x64xf32, #tpu.memory_space<vmem>>) offsets(%dma_start3A_713 : memref<125xi32, #tpu.memory_space<vmem>>) semaphore(%dma_start3A_718 : memref<!tpu.dma_semaphore, #tpu.memory_space<semaphore_mem>>)
      } else {
      }
      %mul3A_657 = arith.constant 10 : i32
      %mul3A_658 = arith.muli %scan3A_263, %mul3A_657 : i32
      %add3A_659 = arith.constant 9 : i32
      %add3A_660 = arith.addi %mul3A_658, %add3A_659 : i32
      %dma_wait3A_661 = arith.constant 9 : i32
      %dma_wait3A_662 = arith.constant 9 : i32
      %dma_wait3A_663 = arith.constant 0 : i32
      %dma_wait3A_664 = arith.constant 0 : i32
      %dma_wait3A_665 = tpu.memref_slice %arg6[%dma_wait3A_661, %dma_wait3A_663, %dma_wait3A_664] : memref<10x125x64xf32, #tpu.memory_space<vmem>> -> memref<1x125x64xf32, #tpu.memory_space<vmem>>
      %dma_wait3A_666 = tpu.memref_squeeze %dma_wait3A_665 : memref<1x125x64xf32, #tpu.memory_space<vmem>> -> memref<125x64xf32, #tpu.memory_space<vmem>>
      %dma_wait3A_667 = arith.constant 0 : i32
      %dma_wait3A_668 = tpu.memref_slice %arg5[%add3A_660, %dma_wait3A_667] : memref<250x125xi32, #tpu.memory_space<vmem>> -> memref<1x125xi32, #tpu.memory_space<vmem>>
      %dma_wait3A_669 = tpu.memref_squeeze %dma_wait3A_668 : memref<1x125xi32, #tpu.memory_space<vmem>> -> memref<125xi32, #tpu.memory_space<vmem>>
      %dma_wait3A_670 = arith.constant 0 : i32
      %dma_wait3A_671 = arith.constant 0 : i32
      %dma_wait3A_672 = tpu.memref_slice %arg2[%dma_wait3A_670, %dma_wait3A_671] : memref<1000000x64xf32, #tpu.memory_space<hbm>> -> memref<1000000x64xf32, #tpu.memory_space<hbm>>
      %dma_wait3A_673 = tpu.memref_slice %arg7[%dma_wait3A_662] : memref<10x!tpu.dma_semaphore, #tpu.memory_space<semaphore_mem>> -> memref<1x!tpu.dma_semaphore, #tpu.memory_space<semaphore_mem>>
      %dma_wait3A_674 = tpu.memref_squeeze %dma_wait3A_673 : memref<1x!tpu.dma_semaphore, #tpu.memory_space<semaphore_mem>> -> memref<!tpu.dma_semaphore, #tpu.memory_space<semaphore_mem>>
      tpu.wait_indirect_dma semaphore(%dma_wait3A_674 : memref<!tpu.dma_semaphore, #tpu.memory_space<semaphore_mem>>) src(%dma_wait3A_672 : memref<1000000x64xf32, #tpu.memory_space<hbm>>) dst(%dma_wait3A_666 : memref<125x64xf32, #tpu.memory_space<vmem>>)
      %mul3A_675 = arith.constant 125 : i32
      %mul3A_676 = arith.muli %add3A_660, %mul3A_675 : i32
      %add3A_677 = arith.addi %mul3A_4, %mul3A_676 : i32
      %dma_start3A_678 = arith.constant 9 : i32
      %dma_start3A_679 = arith.constant 9 : i32
      %dma_start3A_680 = arith.constant 0 : i32
      %dma_start3A_681 = arith.constant 0 : i32
      %dma_start3A_682 = tpu.memref_slice %arg6[%dma_start3A_678, %dma_start3A_680, %dma_start3A_681] : memref<10x125x64xf32, #tpu.memory_space<vmem>> -> memref<1x125x64xf32, #tpu.memory_space<vmem>>
      %dma_start3A_683 = tpu.memref_squeeze %dma_start3A_682 : memref<1x125x64xf32, #tpu.memory_space<vmem>> -> memref<125x64xf32, #tpu.memory_space<vmem>>
      %dma_start3A_684 = arith.constant 0 : i32
      %dma_start3A_685 = tpu.memref_slice %arg4[%add3A_677, %dma_start3A_684] : memref<1000000x64xf32, #tpu.memory_space<hbm>> -> memref<125x64xf32, #tpu.memory_space<hbm>>
      %dma_start3A_686 = tpu.memref_slice %arg8[%dma_start3A_679] : memref<10x!tpu.dma_semaphore, #tpu.memory_space<semaphore_mem>> -> memref<1x!tpu.dma_semaphore, #tpu.memory_space<semaphore_mem>>
      %dma_start3A_687 = tpu.memref_squeeze %dma_start3A_686 : memref<1x!tpu.dma_semaphore, #tpu.memory_space<semaphore_mem>> -> memref<!tpu.dma_semaphore, #tpu.memory_space<semaphore_mem>>
      %dma_start3A_688 = arith.constant 0 : i32
      %dma_start3A_689 = tpu.memref_slice %arg4[%add3A_677, %dma_start3A_688] : memref<1000000x64xf32, #tpu.memory_space<hbm>> -> memref<125x64xf32, #tpu.memory_space<hbm>>
      %dma_start3A_690 = arith.constant 0 : i32
      %dma_start3A_691 = arith.constant 0 : i32
      %dma_start3A_692 = tpu.memref_slice %arg6[%dma_start3A_678, %dma_start3A_690, %dma_start3A_691] : memref<10x125x64xf32, #tpu.memory_space<vmem>> -> memref<1x125x64xf32, #tpu.memory_space<vmem>>
      %dma_start3A_693 = tpu.memref_squeeze %dma_start3A_692 : memref<1x125x64xf32, #tpu.memory_space<vmem>> -> memref<125x64xf32, #tpu.memory_space<vmem>>
      tpu.enqueue_dma source(%dma_start3A_693 : memref<125x64xf32, #tpu.memory_space<vmem>>) target(%dma_start3A_689 : memref<125x64xf32, #tpu.memory_space<hbm>>) target_semaphore(%dma_start3A_687 : memref<!tpu.dma_semaphore, #tpu.memory_space<semaphore_mem>>)
      %add3A_694 = arith.constant 5 : i32
      %add3A_695 = arith.addi %add3A_660, %add3A_694 : i32
      %lt3A_696 = arith.constant 250 : i32
      %lt3A_697 = arith.cmpi slt, %add3A_695, %lt3A_696 : i32
      %convert_element_type3A_698 = arith.extui %lt3A_697 : i1 to i32
      %cond3A_699 = arith.constant 0 : i32
      %cond3A_700 = arith.cmpi ne, %convert_element_type3A_698, %cond3A_699 : i32
      scf.if %cond3A_700 {
        %ge3A = arith.constant 10 : i32
        %ge3A_701 = arith.cmpi sge, %add3A_695, %ge3A : i32
        %convert_element_type3A_702 = arith.extui %ge3A_701 : i1 to i32
        %cond3A_703 = arith.constant 0 : i32
        %cond3A_704 = arith.cmpi ne, %convert_element_type3A_702, %cond3A_703 : i32
        scf.if %cond3A_704 {
          %sub3A = arith.constant 10 : i32
          %sub3A_719 = arith.subi %add3A_695, %sub3A : i32
          %mul3A_720 = arith.constant 125 : i32
          %mul3A_721 = arith.muli %sub3A_719, %mul3A_720 : i32
          %add3A_722 = arith.addi %mul3A_4, %mul3A_721 : i32
          %dma_wait3A_723 = arith.constant 4 : i32
          %dma_wait3A_724 = arith.constant 4 : i32
          %dma_wait3A_725 = arith.constant 0 : i32
          %dma_wait3A_726 = arith.constant 0 : i32
          %dma_wait3A_727 = tpu.memref_slice %arg6[%dma_wait3A_723, %dma_wait3A_725, %dma_wait3A_726] : memref<10x125x64xf32, #tpu.memory_space<vmem>> -> memref<1x125x64xf32, #tpu.memory_space<vmem>>
          %dma_wait3A_728 = tpu.memref_squeeze %dma_wait3A_727 : memref<1x125x64xf32, #tpu.memory_space<vmem>> -> memref<125x64xf32, #tpu.memory_space<vmem>>
          %dma_wait3A_729 = arith.constant 0 : i32
          %dma_wait3A_730 = tpu.memref_slice %arg4[%add3A_722, %dma_wait3A_729] : memref<1000000x64xf32, #tpu.memory_space<hbm>> -> memref<125x64xf32, #tpu.memory_space<hbm>>
          %dma_wait3A_731 = tpu.memref_slice %arg8[%dma_wait3A_724] : memref<10x!tpu.dma_semaphore, #tpu.memory_space<semaphore_mem>> -> memref<1x!tpu.dma_semaphore, #tpu.memory_space<semaphore_mem>>
          %dma_wait3A_732 = tpu.memref_squeeze %dma_wait3A_731 : memref<1x!tpu.dma_semaphore, #tpu.memory_space<semaphore_mem>> -> memref<!tpu.dma_semaphore, #tpu.memory_space<semaphore_mem>>
          %dma_wait3A_733 = arith.constant 0 : i32
          %dma_wait3A_734 = tpu.memref_slice %arg4[%add3A_722, %dma_wait3A_733] : memref<1000000x64xf32, #tpu.memory_space<hbm>> -> memref<125x64xf32, #tpu.memory_space<hbm>>
          %dma_wait3A_735 = arith.constant 0 : i32
          %dma_wait3A_736 = arith.constant 0 : i32
          %dma_wait3A_737 = tpu.memref_slice %arg6[%dma_wait3A_723, %dma_wait3A_735, %dma_wait3A_736] : memref<10x125x64xf32, #tpu.memory_space<vmem>> -> memref<1x125x64xf32, #tpu.memory_space<vmem>>
          %dma_wait3A_738 = tpu.memref_squeeze %dma_wait3A_737 : memref<1x125x64xf32, #tpu.memory_space<vmem>> -> memref<125x64xf32, #tpu.memory_space<vmem>>
          tpu.wait_dma2 semaphore(%dma_wait3A_732 : memref<!tpu.dma_semaphore, #tpu.memory_space<semaphore_mem>>) src(%dma_wait3A_738 : memref<125x64xf32, #tpu.memory_space<vmem>>) dst(%dma_wait3A_734 : memref<125x64xf32, #tpu.memory_space<hbm>>)
        } else {
        }
        %dma_start3A_705 = arith.constant 4 : i32
        %dma_start3A_706 = arith.constant 4 : i32
        %dma_start3A_707 = arith.constant 0 : i32
        %dma_start3A_708 = arith.constant 0 : i32
        %dma_start3A_709 = tpu.memref_slice %arg6[%dma_start3A_705, %dma_start3A_707, %dma_start3A_708] : memref<10x125x64xf32, #tpu.memory_space<vmem>> -> memref<1x125x64xf32, #tpu.memory_space<vmem>>
        %dma_start3A_710 = tpu.memref_squeeze %dma_start3A_709 : memref<1x125x64xf32, #tpu.memory_space<vmem>> -> memref<125x64xf32, #tpu.memory_space<vmem>>
        %dma_start3A_711 = arith.constant 0 : i32
        %dma_start3A_712 = tpu.memref_slice %arg5[%add3A_695, %dma_start3A_711] : memref<250x125xi32, #tpu.memory_space<vmem>> -> memref<1x125xi32, #tpu.memory_space<vmem>>
        %dma_start3A_713 = tpu.memref_squeeze %dma_start3A_712 : memref<1x125xi32, #tpu.memory_space<vmem>> -> memref<125xi32, #tpu.memory_space<vmem>>
        %dma_start3A_714 = arith.constant 0 : i32
        %dma_start3A_715 = arith.constant 0 : i32
        %dma_start3A_716 = tpu.memref_slice %arg2[%dma_start3A_714, %dma_start3A_715] : memref<1000000x64xf32, #tpu.memory_space<hbm>> -> memref<1000000x64xf32, #tpu.memory_space<hbm>>
        %dma_start3A_717 = tpu.memref_slice %arg7[%dma_start3A_706] : memref<10x!tpu.dma_semaphore, #tpu.memory_space<semaphore_mem>> -> memref<1x!tpu.dma_semaphore, #tpu.memory_space<semaphore_mem>>
        %dma_start3A_718 = tpu.memref_squeeze %dma_start3A_717 : memref<1x!tpu.dma_semaphore, #tpu.memory_space<semaphore_mem>> -> memref<!tpu.dma_semaphore, #tpu.memory_space<semaphore_mem>>
        tpu.enqueue_indirect_dma source(%dma_start3A_716 : memref<1000000x64xf32, #tpu.memory_space<hbm>>) target(%dma_start3A_710 : memref<125x64xf32, #tpu.memory_space<vmem>>) offsets(%dma_start3A_713 : memref<125xi32, #tpu.memory_space<vmem>>) semaphore(%dma_start3A_718 : memref<!tpu.dma_semaphore, #tpu.memory_space<semaphore_mem>>)
      } else {
      }
    }
    %scan3A_83 = arith.constant 25 : i32
    %add3A_84 = arith.constant 30000 : i32
    %add3A_85 = arith.addi %mul3A_4, %add3A_84 : i32
    %dma_wait3A = arith.constant 0 : i32
    %dma_wait3A_86 = arith.constant 0 : i32
    %dma_wait3A_87 = arith.constant 0 : i32
    %dma_wait3A_88 = arith.constant 0 : i32
    %dma_wait3A_89 = tpu.memref_slice %arg6[%dma_wait3A, %dma_wait3A_87, %dma_wait3A_88] : memref<10x125x64xf32, #tpu.memory_space<vmem>> -> memref<1x125x64xf32, #tpu.memory_space<vmem>>
    %dma_wait3A_90 = tpu.memref_squeeze %dma_wait3A_89 : memref<1x125x64xf32, #tpu.memory_space<vmem>> -> memref<125x64xf32, #tpu.memory_space<vmem>>
    %dma_wait3A_91 = arith.constant 0 : i32
    %dma_wait3A_92 = tpu.memref_slice %arg4[%add3A_85, %dma_wait3A_91] : memref<1000000x64xf32, #tpu.memory_space<hbm>> -> memref<125x64xf32, #tpu.memory_space<hbm>>
    %dma_wait3A_93 = tpu.memref_slice %arg8[%dma_wait3A_86] : memref<10x!tpu.dma_semaphore, #tpu.memory_space<semaphore_mem>> -> memref<1x!tpu.dma_semaphore, #tpu.memory_space<semaphore_mem>>
    %dma_wait3A_94 = tpu.memref_squeeze %dma_wait3A_93 : memref<1x!tpu.dma_semaphore, #tpu.memory_space<semaphore_mem>> -> memref<!tpu.dma_semaphore, #tpu.memory_space<semaphore_mem>>
    %dma_wait3A_95 = arith.constant 0 : i32
    %dma_wait3A_96 = tpu.memref_slice %arg4[%add3A_85, %dma_wait3A_95] : memref<1000000x64xf32, #tpu.memory_space<hbm>> -> memref<125x64xf32, #tpu.memory_space<hbm>>
    %dma_wait3A_97 = arith.constant 0 : i32
    %dma_wait3A_98 = arith.constant 0 : i32
    %dma_wait3A_99 = tpu.memref_slice %arg6[%dma_wait3A, %dma_wait3A_97, %dma_wait3A_98] : memref<10x125x64xf32, #tpu.memory_space<vmem>> -> memref<1x125x64xf32, #tpu.memory_space<vmem>>
    %dma_wait3A_100 = tpu.memref_squeeze %dma_wait3A_99 : memref<1x125x64xf32, #tpu.memory_space<vmem>> -> memref<125x64xf32, #tpu.memory_space<vmem>>
    tpu.wait_dma2 semaphore(%dma_wait3A_94 : memref<!tpu.dma_semaphore, #tpu.memory_space<semaphore_mem>>) src(%dma_wait3A_100 : memref<125x64xf32, #tpu.memory_space<vmem>>) dst(%dma_wait3A_96 : memref<125x64xf32, #tpu.memory_space<hbm>>)
    %add3A_101 = arith.constant 30125 : i32
    %add3A_102 = arith.addi %mul3A_4, %add3A_101 : i32
    %dma_wait3A_103 = arith.constant 1 : i32
    %dma_wait3A_104 = arith.constant 1 : i32
    %dma_wait3A_105 = arith.constant 0 : i32
    %dma_wait3A_106 = arith.constant 0 : i32
    %dma_wait3A_107 = tpu.memref_slice %arg6[%dma_wait3A_103, %dma_wait3A_105, %dma_wait3A_106] : memref<10x125x64xf32, #tpu.memory_space<vmem>> -> memref<1x125x64xf32, #tpu.memory_space<vmem>>
    %dma_wait3A_108 = tpu.memref_squeeze %dma_wait3A_107 : memref<1x125x64xf32, #tpu.memory_space<vmem>> -> memref<125x64xf32, #tpu.memory_space<vmem>>
    %dma_wait3A_109 = arith.constant 0 : i32
    %dma_wait3A_110 = tpu.memref_slice %arg4[%add3A_102, %dma_wait3A_109] : memref<1000000x64xf32, #tpu.memory_space<hbm>> -> memref<125x64xf32, #tpu.memory_space<hbm>>
    %dma_wait3A_111 = tpu.memref_slice %arg8[%dma_wait3A_104] : memref<10x!tpu.dma_semaphore, #tpu.memory_space<semaphore_mem>> -> memref<1x!tpu.dma_semaphore, #tpu.memory_space<semaphore_mem>>
    %dma_wait3A_112 = tpu.memref_squeeze %dma_wait3A_111 : memref<1x!tpu.dma_semaphore, #tpu.memory_space<semaphore_mem>> -> memref<!tpu.dma_semaphore, #tpu.memory_space<semaphore_mem>>
    %dma_wait3A_113 = arith.constant 0 : i32
    %dma_wait3A_114 = tpu.memref_slice %arg4[%add3A_102, %dma_wait3A_113] : memref<1000000x64xf32, #tpu.memory_space<hbm>> -> memref<125x64xf32, #tpu.memory_space<hbm>>
    %dma_wait3A_115 = arith.constant 0 : i32
    %dma_wait3A_116 = arith.constant 0 : i32
    %dma_wait3A_117 = tpu.memref_slice %arg6[%dma_wait3A_103, %dma_wait3A_115, %dma_wait3A_116] : memref<10x125x64xf32, #tpu.memory_space<vmem>> -> memref<1x125x64xf32, #tpu.memory_space<vmem>>
    %dma_wait3A_118 = tpu.memref_squeeze %dma_wait3A_117 : memref<1x125x64xf32, #tpu.memory_space<vmem>> -> memref<125x64xf32, #tpu.memory_space<vmem>>
    tpu.wait_dma2 semaphore(%dma_wait3A_112 : memref<!tpu.dma_semaphore, #tpu.memory_space<semaphore_mem>>) src(%dma_wait3A_118 : memref<125x64xf32, #tpu.memory_space<vmem>>) dst(%dma_wait3A_114 : memref<125x64xf32, #tpu.memory_space<hbm>>)
    %add3A_119 = arith.constant 30250 : i32
    %add3A_120 = arith.addi %mul3A_4, %add3A_119 : i32
    %dma_wait3A_121 = arith.constant 2 : i32
    %dma_wait3A_122 = arith.constant 2 : i32
    %dma_wait3A_123 = arith.constant 0 : i32
    %dma_wait3A_124 = arith.constant 0 : i32
    %dma_wait3A_125 = tpu.memref_slice %arg6[%dma_wait3A_121, %dma_wait3A_123, %dma_wait3A_124] : memref<10x125x64xf32, #tpu.memory_space<vmem>> -> memref<1x125x64xf32, #tpu.memory_space<vmem>>
    %dma_wait3A_126 = tpu.memref_squeeze %dma_wait3A_125 : memref<1x125x64xf32, #tpu.memory_space<vmem>> -> memref<125x64xf32, #tpu.memory_space<vmem>>
    %dma_wait3A_127 = arith.constant 0 : i32
    %dma_wait3A_128 = tpu.memref_slice %arg4[%add3A_120, %dma_wait3A_127] : memref<1000000x64xf32, #tpu.memory_space<hbm>> -> memref<125x64xf32, #tpu.memory_space<hbm>>
    %dma_wait3A_129 = tpu.memref_slice %arg8[%dma_wait3A_122] : memref<10x!tpu.dma_semaphore, #tpu.memory_space<semaphore_mem>> -> memref<1x!tpu.dma_semaphore, #tpu.memory_space<semaphore_mem>>
    %dma_wait3A_130 = tpu.memref_squeeze %dma_wait3A_129 : memref<1x!tpu.dma_semaphore, #tpu.memory_space<semaphore_mem>> -> memref<!tpu.dma_semaphore, #tpu.memory_space<semaphore_mem>>
    %dma_wait3A_131 = arith.constant 0 : i32
    %dma_wait3A_132 = tpu.memref_slice %arg4[%add3A_120, %dma_wait3A_131] : memref<1000000x64xf32, #tpu.memory_space<hbm>> -> memref<125x64xf32, #tpu.memory_space<hbm>>
    %dma_wait3A_133 = arith.constant 0 : i32
    %dma_wait3A_134 = arith.constant 0 : i32
    %dma_wait3A_135 = tpu.memref_slice %arg6[%dma_wait3A_121, %dma_wait3A_133, %dma_wait3A_134] : memref<10x125x64xf32, #tpu.memory_space<vmem>> -> memref<1x125x64xf32, #tpu.memory_space<vmem>>
    %dma_wait3A_136 = tpu.memref_squeeze %dma_wait3A_135 : memref<1x125x64xf32, #tpu.memory_space<vmem>> -> memref<125x64xf32, #tpu.memory_space<vmem>>
    tpu.wait_dma2 semaphore(%dma_wait3A_130 : memref<!tpu.dma_semaphore, #tpu.memory_space<semaphore_mem>>) src(%dma_wait3A_136 : memref<125x64xf32, #tpu.memory_space<vmem>>) dst(%dma_wait3A_132 : memref<125x64xf32, #tpu.memory_space<hbm>>)
    %add3A_137 = arith.constant 30375 : i32
    %add3A_138 = arith.addi %mul3A_4, %add3A_137 : i32
    %dma_wait3A_139 = arith.constant 3 : i32
    %dma_wait3A_140 = arith.constant 3 : i32
    %dma_wait3A_141 = arith.constant 0 : i32
    %dma_wait3A_142 = arith.constant 0 : i32
    %dma_wait3A_143 = tpu.memref_slice %arg6[%dma_wait3A_139, %dma_wait3A_141, %dma_wait3A_142] : memref<10x125x64xf32, #tpu.memory_space<vmem>> -> memref<1x125x64xf32, #tpu.memory_space<vmem>>
    %dma_wait3A_144 = tpu.memref_squeeze %dma_wait3A_143 : memref<1x125x64xf32, #tpu.memory_space<vmem>> -> memref<125x64xf32, #tpu.memory_space<vmem>>
    %dma_wait3A_145 = arith.constant 0 : i32
    %dma_wait3A_146 = tpu.memref_slice %arg4[%add3A_138, %dma_wait3A_145] : memref<1000000x64xf32, #tpu.memory_space<hbm>> -> memref<125x64xf32, #tpu.memory_space<hbm>>
    %dma_wait3A_147 = tpu.memref_slice %arg8[%dma_wait3A_140] : memref<10x!tpu.dma_semaphore, #tpu.memory_space<semaphore_mem>> -> memref<1x!tpu.dma_semaphore, #tpu.memory_space<semaphore_mem>>
    %dma_wait3A_148 = tpu.memref_squeeze %dma_wait3A_147 : memref<1x!tpu.dma_semaphore, #tpu.memory_space<semaphore_mem>> -> memref<!tpu.dma_semaphore, #tpu.memory_space<semaphore_mem>>
    %dma_wait3A_149 = arith.constant 0 : i32
    %dma_wait3A_150 = tpu.memref_slice %arg4[%add3A_138, %dma_wait3A_149] : memref<1000000x64xf32, #tpu.memory_space<hbm>> -> memref<125x64xf32, #tpu.memory_space<hbm>>
    %dma_wait3A_151 = arith.constant 0 : i32
    %dma_wait3A_152 = arith.constant 0 : i32
    %dma_wait3A_153 = tpu.memref_slice %arg6[%dma_wait3A_139, %dma_wait3A_151, %dma_wait3A_152] : memref<10x125x64xf32, #tpu.memory_space<vmem>> -> memref<1x125x64xf32, #tpu.memory_space<vmem>>
    %dma_wait3A_154 = tpu.memref_squeeze %dma_wait3A_153 : memref<1x125x64xf32, #tpu.memory_space<vmem>> -> memref<125x64xf32, #tpu.memory_space<vmem>>
    tpu.wait_dma2 semaphore(%dma_wait3A_148 : memref<!tpu.dma_semaphore, #tpu.memory_space<semaphore_mem>>) src(%dma_wait3A_154 : memref<125x64xf32, #tpu.memory_space<vmem>>) dst(%dma_wait3A_150 : memref<125x64xf32, #tpu.memory_space<hbm>>)
    %add3A_155 = arith.constant 30500 : i32
    %add3A_156 = arith.addi %mul3A_4, %add3A_155 : i32
    %dma_wait3A_157 = arith.constant 4 : i32
    %dma_wait3A_158 = arith.constant 4 : i32
    %dma_wait3A_159 = arith.constant 0 : i32
    %dma_wait3A_160 = arith.constant 0 : i32
    %dma_wait3A_161 = tpu.memref_slice %arg6[%dma_wait3A_157, %dma_wait3A_159, %dma_wait3A_160] : memref<10x125x64xf32, #tpu.memory_space<vmem>> -> memref<1x125x64xf32, #tpu.memory_space<vmem>>
    %dma_wait3A_162 = tpu.memref_squeeze %dma_wait3A_161 : memref<1x125x64xf32, #tpu.memory_space<vmem>> -> memref<125x64xf32, #tpu.memory_space<vmem>>
    %dma_wait3A_163 = arith.constant 0 : i32
    %dma_wait3A_164 = tpu.memref_slice %arg4[%add3A_156, %dma_wait3A_163] : memref<1000000x64xf32, #tpu.memory_space<hbm>> -> memref<125x64xf32, #tpu.memory_space<hbm>>
    %dma_wait3A_165 = tpu.memref_slice %arg8[%dma_wait3A_158] : memref<10x!tpu.dma_semaphore, #tpu.memory_space<semaphore_mem>> -> memref<1x!tpu.dma_semaphore, #tpu.memory_space<semaphore_mem>>
    %dma_wait3A_166 = tpu.memref_squeeze %dma_wait3A_165 : memref<1x!tpu.dma_semaphore, #tpu.memory_space<semaphore_mem>> -> memref<!tpu.dma_semaphore, #tpu.memory_space<semaphore_mem>>
    %dma_wait3A_167 = arith.constant 0 : i32
    %dma_wait3A_168 = tpu.memref_slice %arg4[%add3A_156, %dma_wait3A_167] : memref<1000000x64xf32, #tpu.memory_space<hbm>> -> memref<125x64xf32, #tpu.memory_space<hbm>>
    %dma_wait3A_169 = arith.constant 0 : i32
    %dma_wait3A_170 = arith.constant 0 : i32
    %dma_wait3A_171 = tpu.memref_slice %arg6[%dma_wait3A_157, %dma_wait3A_169, %dma_wait3A_170] : memref<10x125x64xf32, #tpu.memory_space<vmem>> -> memref<1x125x64xf32, #tpu.memory_space<vmem>>
    %dma_wait3A_172 = tpu.memref_squeeze %dma_wait3A_171 : memref<1x125x64xf32, #tpu.memory_space<vmem>> -> memref<125x64xf32, #tpu.memory_space<vmem>>
    tpu.wait_dma2 semaphore(%dma_wait3A_166 : memref<!tpu.dma_semaphore, #tpu.memory_space<semaphore_mem>>) src(%dma_wait3A_172 : memref<125x64xf32, #tpu.memory_space<vmem>>) dst(%dma_wait3A_168 : memref<125x64xf32, #tpu.memory_space<hbm>>)
    %add3A_173 = arith.constant 30625 : i32
    %add3A_174 = arith.addi %mul3A_4, %add3A_173 : i32
    %dma_wait3A_175 = arith.constant 5 : i32
    %dma_wait3A_176 = arith.constant 5 : i32
    %dma_wait3A_177 = arith.constant 0 : i32
    %dma_wait3A_178 = arith.constant 0 : i32
    %dma_wait3A_179 = tpu.memref_slice %arg6[%dma_wait3A_175, %dma_wait3A_177, %dma_wait3A_178] : memref<10x125x64xf32, #tpu.memory_space<vmem>> -> memref<1x125x64xf32, #tpu.memory_space<vmem>>
    %dma_wait3A_180 = tpu.memref_squeeze %dma_wait3A_179 : memref<1x125x64xf32, #tpu.memory_space<vmem>> -> memref<125x64xf32, #tpu.memory_space<vmem>>
    %dma_wait3A_181 = arith.constant 0 : i32
    %dma_wait3A_182 = tpu.memref_slice %arg4[%add3A_174, %dma_wait3A_181] : memref<1000000x64xf32, #tpu.memory_space<hbm>> -> memref<125x64xf32, #tpu.memory_space<hbm>>
    %dma_wait3A_183 = tpu.memref_slice %arg8[%dma_wait3A_176] : memref<10x!tpu.dma_semaphore, #tpu.memory_space<semaphore_mem>> -> memref<1x!tpu.dma_semaphore, #tpu.memory_space<semaphore_mem>>
    %dma_wait3A_184 = tpu.memref_squeeze %dma_wait3A_183 : memref<1x!tpu.dma_semaphore, #tpu.memory_space<semaphore_mem>> -> memref<!tpu.dma_semaphore, #tpu.memory_space<semaphore_mem>>
    %dma_wait3A_185 = arith.constant 0 : i32
    %dma_wait3A_186 = tpu.memref_slice %arg4[%add3A_174, %dma_wait3A_185] : memref<1000000x64xf32, #tpu.memory_space<hbm>> -> memref<125x64xf32, #tpu.memory_space<hbm>>
    %dma_wait3A_187 = arith.constant 0 : i32
    %dma_wait3A_188 = arith.constant 0 : i32
    %dma_wait3A_189 = tpu.memref_slice %arg6[%dma_wait3A_175, %dma_wait3A_187, %dma_wait3A_188] : memref<10x125x64xf32, #tpu.memory_space<vmem>> -> memref<1x125x64xf32, #tpu.memory_space<vmem>>
    %dma_wait3A_190 = tpu.memref_squeeze %dma_wait3A_189 : memref<1x125x64xf32, #tpu.memory_space<vmem>> -> memref<125x64xf32, #tpu.memory_space<vmem>>
    tpu.wait_dma2 semaphore(%dma_wait3A_184 : memref<!tpu.dma_semaphore, #tpu.memory_space<semaphore_mem>>) src(%dma_wait3A_190 : memref<125x64xf32, #tpu.memory_space<vmem>>) dst(%dma_wait3A_186 : memref<125x64xf32, #tpu.memory_space<hbm>>)
    %add3A_191 = arith.constant 30750 : i32
    %add3A_192 = arith.addi %mul3A_4, %add3A_191 : i32
    %dma_wait3A_193 = arith.constant 6 : i32
    %dma_wait3A_194 = arith.constant 6 : i32
    %dma_wait3A_195 = arith.constant 0 : i32
    %dma_wait3A_196 = arith.constant 0 : i32
    %dma_wait3A_197 = tpu.memref_slice %arg6[%dma_wait3A_193, %dma_wait3A_195, %dma_wait3A_196] : memref<10x125x64xf32, #tpu.memory_space<vmem>> -> memref<1x125x64xf32, #tpu.memory_space<vmem>>
    %dma_wait3A_198 = tpu.memref_squeeze %dma_wait3A_197 : memref<1x125x64xf32, #tpu.memory_space<vmem>> -> memref<125x64xf32, #tpu.memory_space<vmem>>
    %dma_wait3A_199 = arith.constant 0 : i32
    %dma_wait3A_200 = tpu.memref_slice %arg4[%add3A_192, %dma_wait3A_199] : memref<1000000x64xf32, #tpu.memory_space<hbm>> -> memref<125x64xf32, #tpu.memory_space<hbm>>
    %dma_wait3A_201 = tpu.memref_slice %arg8[%dma_wait3A_194] : memref<10x!tpu.dma_semaphore, #tpu.memory_space<semaphore_mem>> -> memref<1x!tpu.dma_semaphore, #tpu.memory_space<semaphore_mem>>
    %dma_wait3A_202 = tpu.memref_squeeze %dma_wait3A_201 : memref<1x!tpu.dma_semaphore, #tpu.memory_space<semaphore_mem>> -> memref<!tpu.dma_semaphore, #tpu.memory_space<semaphore_mem>>
    %dma_wait3A_203 = arith.constant 0 : i32
    %dma_wait3A_204 = tpu.memref_slice %arg4[%add3A_192, %dma_wait3A_203] : memref<1000000x64xf32, #tpu.memory_space<hbm>> -> memref<125x64xf32, #tpu.memory_space<hbm>>
    %dma_wait3A_205 = arith.constant 0 : i32
    %dma_wait3A_206 = arith.constant 0 : i32
    %dma_wait3A_207 = tpu.memref_slice %arg6[%dma_wait3A_193, %dma_wait3A_205, %dma_wait3A_206] : memref<10x125x64xf32, #tpu.memory_space<vmem>> -> memref<1x125x64xf32, #tpu.memory_space<vmem>>
    %dma_wait3A_208 = tpu.memref_squeeze %dma_wait3A_207 : memref<1x125x64xf32, #tpu.memory_space<vmem>> -> memref<125x64xf32, #tpu.memory_space<vmem>>
    tpu.wait_dma2 semaphore(%dma_wait3A_202 : memref<!tpu.dma_semaphore, #tpu.memory_space<semaphore_mem>>) src(%dma_wait3A_208 : memref<125x64xf32, #tpu.memory_space<vmem>>) dst(%dma_wait3A_204 : memref<125x64xf32, #tpu.memory_space<hbm>>)
    %add3A_209 = arith.constant 30875 : i32
    %add3A_210 = arith.addi %mul3A_4, %add3A_209 : i32
    %dma_wait3A_211 = arith.constant 7 : i32
    %dma_wait3A_212 = arith.constant 7 : i32
    %dma_wait3A_213 = arith.constant 0 : i32
    %dma_wait3A_214 = arith.constant 0 : i32
    %dma_wait3A_215 = tpu.memref_slice %arg6[%dma_wait3A_211, %dma_wait3A_213, %dma_wait3A_214] : memref<10x125x64xf32, #tpu.memory_space<vmem>> -> memref<1x125x64xf32, #tpu.memory_space<vmem>>
    %dma_wait3A_216 = tpu.memref_squeeze %dma_wait3A_215 : memref<1x125x64xf32, #tpu.memory_space<vmem>> -> memref<125x64xf32, #tpu.memory_space<vmem>>
    %dma_wait3A_217 = arith.constant 0 : i32
    %dma_wait3A_218 = tpu.memref_slice %arg4[%add3A_210, %dma_wait3A_217] : memref<1000000x64xf32, #tpu.memory_space<hbm>> -> memref<125x64xf32, #tpu.memory_space<hbm>>
    %dma_wait3A_219 = tpu.memref_slice %arg8[%dma_wait3A_212] : memref<10x!tpu.dma_semaphore, #tpu.memory_space<semaphore_mem>> -> memref<1x!tpu.dma_semaphore, #tpu.memory_space<semaphore_mem>>
    %dma_wait3A_220 = tpu.memref_squeeze %dma_wait3A_219 : memref<1x!tpu.dma_semaphore, #tpu.memory_space<semaphore_mem>> -> memref<!tpu.dma_semaphore, #tpu.memory_space<semaphore_mem>>
    %dma_wait3A_221 = arith.constant 0 : i32
    %dma_wait3A_222 = tpu.memref_slice %arg4[%add3A_210, %dma_wait3A_221] : memref<1000000x64xf32, #tpu.memory_space<hbm>> -> memref<125x64xf32, #tpu.memory_space<hbm>>
    %dma_wait3A_223 = arith.constant 0 : i32
    %dma_wait3A_224 = arith.constant 0 : i32
    %dma_wait3A_225 = tpu.memref_slice %arg6[%dma_wait3A_211, %dma_wait3A_223, %dma_wait3A_224] : memref<10x125x64xf32, #tpu.memory_space<vmem>> -> memref<1x125x64xf32, #tpu.memory_space<vmem>>
    %dma_wait3A_226 = tpu.memref_squeeze %dma_wait3A_225 : memref<1x125x64xf32, #tpu.memory_space<vmem>> -> memref<125x64xf32, #tpu.memory_space<vmem>>
    tpu.wait_dma2 semaphore(%dma_wait3A_220 : memref<!tpu.dma_semaphore, #tpu.memory_space<semaphore_mem>>) src(%dma_wait3A_226 : memref<125x64xf32, #tpu.memory_space<vmem>>) dst(%dma_wait3A_222 : memref<125x64xf32, #tpu.memory_space<hbm>>)
    %add3A_227 = arith.constant 31000 : i32
    %add3A_228 = arith.addi %mul3A_4, %add3A_227 : i32
    %dma_wait3A_229 = arith.constant 8 : i32
    %dma_wait3A_230 = arith.constant 8 : i32
    %dma_wait3A_231 = arith.constant 0 : i32
    %dma_wait3A_232 = arith.constant 0 : i32
    %dma_wait3A_233 = tpu.memref_slice %arg6[%dma_wait3A_229, %dma_wait3A_231, %dma_wait3A_232] : memref<10x125x64xf32, #tpu.memory_space<vmem>> -> memref<1x125x64xf32, #tpu.memory_space<vmem>>
    %dma_wait3A_234 = tpu.memref_squeeze %dma_wait3A_233 : memref<1x125x64xf32, #tpu.memory_space<vmem>> -> memref<125x64xf32, #tpu.memory_space<vmem>>
    %dma_wait3A_235 = arith.constant 0 : i32
    %dma_wait3A_236 = tpu.memref_slice %arg4[%add3A_228, %dma_wait3A_235] : memref<1000000x64xf32, #tpu.memory_space<hbm>> -> memref<125x64xf32, #tpu.memory_space<hbm>>
    %dma_wait3A_237 = tpu.memref_slice %arg8[%dma_wait3A_230] : memref<10x!tpu.dma_semaphore, #tpu.memory_space<semaphore_mem>> -> memref<1x!tpu.dma_semaphore, #tpu.memory_space<semaphore_mem>>
    %dma_wait3A_238 = tpu.memref_squeeze %dma_wait3A_237 : memref<1x!tpu.dma_semaphore, #tpu.memory_space<semaphore_mem>> -> memref<!tpu.dma_semaphore, #tpu.memory_space<semaphore_mem>>
    %dma_wait3A_239 = arith.constant 0 : i32
    %dma_wait3A_240 = tpu.memref_slice %arg4[%add3A_228, %dma_wait3A_239] : memref<1000000x64xf32, #tpu.memory_space<hbm>> -> memref<125x64xf32, #tpu.memory_space<hbm>>
    %dma_wait3A_241 = arith.constant 0 : i32
    %dma_wait3A_242 = arith.constant 0 : i32
    %dma_wait3A_243 = tpu.memref_slice %arg6[%dma_wait3A_229, %dma_wait3A_241, %dma_wait3A_242] : memref<10x125x64xf32, #tpu.memory_space<vmem>> -> memref<1x125x64xf32, #tpu.memory_space<vmem>>
    %dma_wait3A_244 = tpu.memref_squeeze %dma_wait3A_243 : memref<1x125x64xf32, #tpu.memory_space<vmem>> -> memref<125x64xf32, #tpu.memory_space<vmem>>
    tpu.wait_dma2 semaphore(%dma_wait3A_238 : memref<!tpu.dma_semaphore, #tpu.memory_space<semaphore_mem>>) src(%dma_wait3A_244 : memref<125x64xf32, #tpu.memory_space<vmem>>) dst(%dma_wait3A_240 : memref<125x64xf32, #tpu.memory_space<hbm>>)
    %add3A_245 = arith.constant 31125 : i32
    %add3A_246 = arith.addi %mul3A_4, %add3A_245 : i32
    %dma_wait3A_247 = arith.constant 9 : i32
    %dma_wait3A_248 = arith.constant 9 : i32
    %dma_wait3A_249 = arith.constant 0 : i32
    %dma_wait3A_250 = arith.constant 0 : i32
    %dma_wait3A_251 = tpu.memref_slice %arg6[%dma_wait3A_247, %dma_wait3A_249, %dma_wait3A_250] : memref<10x125x64xf32, #tpu.memory_space<vmem>> -> memref<1x125x64xf32, #tpu.memory_space<vmem>>
    %dma_wait3A_252 = tpu.memref_squeeze %dma_wait3A_251 : memref<1x125x64xf32, #tpu.memory_space<vmem>> -> memref<125x64xf32, #tpu.memory_space<vmem>>
    %dma_wait3A_253 = arith.constant 0 : i32
    %dma_wait3A_254 = tpu.memref_slice %arg4[%add3A_246, %dma_wait3A_253] : memref<1000000x64xf32, #tpu.memory_space<hbm>> -> memref<125x64xf32, #tpu.memory_space<hbm>>
    %dma_wait3A_255 = tpu.memref_slice %arg8[%dma_wait3A_248] : memref<10x!tpu.dma_semaphore, #tpu.memory_space<semaphore_mem>> -> memref<1x!tpu.dma_semaphore, #tpu.memory_space<semaphore_mem>>
    %dma_wait3A_256 = tpu.memref_squeeze %dma_wait3A_255 : memref<1x!tpu.dma_semaphore, #tpu.memory_space<semaphore_mem>> -> memref<!tpu.dma_semaphore, #tpu.memory_space<semaphore_mem>>
    %dma_wait3A_257 = arith.constant 0 : i32
    %dma_wait3A_258 = tpu.memref_slice %arg4[%add3A_246, %dma_wait3A_257] : memref<1000000x64xf32, #tpu.memory_space<hbm>> -> memref<125x64xf32, #tpu.memory_space<hbm>>
    %dma_wait3A_259 = arith.constant 0 : i32
    %dma_wait3A_260 = arith.constant 0 : i32
    %dma_wait3A_261 = tpu.memref_slice %arg6[%dma_wait3A_247, %dma_wait3A_259, %dma_wait3A_260] : memref<10x125x64xf32, #tpu.memory_space<vmem>> -> memref<1x125x64xf32, #tpu.memory_space<vmem>>
    %dma_wait3A_262 = tpu.memref_squeeze %dma_wait3A_261 : memref<1x125x64xf32, #tpu.memory_space<vmem>> -> memref<125x64xf32, #tpu.memory_space<vmem>>
    tpu.wait_dma2 semaphore(%dma_wait3A_256 : memref<!tpu.dma_semaphore, #tpu.memory_space<semaphore_mem>>) src(%dma_wait3A_262 : memref<125x64xf32, #tpu.memory_space<vmem>>) dst(%dma_wait3A_258 : memref<125x64xf32, #tpu.memory_space<hbm>>)
    return
  }
}

module attributes {stable_mosaic.version = 14 : i64} {
  func.func @_transform_body(%arg0: i32, %arg1: memref<64x4096xf32, #tpu.memory_space<vmem>>, %arg2: memref<64x4096xf32, #tpu.memory_space<vmem>>, %arg3: memref<576x64xf32, #tpu.memory_space<vmem>>, %arg4: memref<64x64xf32, #tpu.memory_space<vmem>>, %arg5: memref<1x64xf32, #tpu.memory_space<vmem>>, %arg6: memref<4096x128xf32, #tpu.memory_space<vmem>>) attributes {dimension_semantics = [#tpu.dimension_semantics<arbitrary>], iteration_bounds = array<i64: 123>, scalar_prefetch = 0 : i64, scratch_operands = 0 : i64, tpu.core_type = #tpu.core_type<tc>, window_params = [{transform_indices = @transform_0, window_bounds = array<i64: 64, 4096>}, {transform_indices = @transform_1, window_bounds = array<i64: 64, 4096>}, {pipeline_mode = #tpu.pipeline_mode<synchronous>, transform_indices = @transform_2, window_bounds = array<i64: 576, 64>}, {pipeline_mode = #tpu.pipeline_mode<synchronous>, transform_indices = @transform_3, window_bounds = array<i64: 64, 64>}, {pipeline_mode = #tpu.pipeline_mode<synchronous>, transform_indices = @transform_4, window_bounds = array<i64: 1, 64>}, {transform_indices = @transform_5, window_bounds = array<i64: 4096, 128>}]} {
    %get3A = arith.constant 0 : index
    %get3A_0 = arith.constant 0 : index
    %get3A_1 = vector.load %arg4[%get3A, %get3A_0] : memref<64x64xf32, #tpu.memory_space<vmem>>, vector<64x64xf32>
    %get3A_2 = arith.constant 0 : index
    %get3A_3 = arith.constant 0 : index
    %get3A_4 = vector.load %arg5[%get3A_2, %get3A_3] : memref<1x64xf32, #tpu.memory_space<vmem>>, vector<1x64xf32>
    %lt3A = arith.constant 122 : i32
    %lt3A_5 = arith.cmpi slt, %arg0, %lt3A : i32
    %convert_element_type3A = arith.extui %lt3A_5 : i1 to i32
    %cond3A = arith.constant 0 : i32
    %cond3A_6 = arith.cmpi ne, %convert_element_type3A, %cond3A : i32
    scf.if %cond3A_6 {
      %get3A_11 = arith.constant 0 : index
      %get3A_12 = arith.constant 0 : index
      %get3A_13 = vector.load %arg1[%get3A_11, %get3A_12] : memref<64x4096xf32, #tpu.memory_space<vmem>>, vector<64x4096xf32>
      %dot_general3A = arith.constant dense<0.000000e+00> : vector<4096x64xf32>
      %dot_general3A_14 = tpu.matmul %get3A_13, %get3A_1, %dot_general3A {dimension_numbers = #tpu.dot_dimension_numbers<[0], [0], [1], [1], [0, 1, 1, 1], [], []>, transpose_lhs_hint = false} : vector<64x4096xf32>, vector<64x64xf32>, vector<4096x64xf32> -> vector<4096x64xf32>
      %add3A = vector.broadcast %get3A_4 : vector<1x64xf32> to vector<4096x64xf32>
      %add3A_15 = arith.addf %dot_general3A_14, %add3A : vector<4096x64xf32>
      %swap3A = arith.constant 0 : index
      %swap3A_16 = arith.constant 0 : index
      %swap3A_17 = vector.load %arg6[%swap3A, %swap3A_16] : memref<4096x128xf32, #tpu.memory_space<vmem>>, vector<4096x64xf32>
      tpu.vector_store %arg6[%swap3A, %swap3A_16], %add3A_15 {strides = array<i32>} : memref<4096x128xf32, #tpu.memory_space<vmem>>, vector<4096x64xf32>,
      %get3A_18 = arith.constant 0 : index
      %get3A_19 = arith.constant 0 : index
      %get3A_20 = vector.load %arg2[%get3A_18, %get3A_19] : memref<64x4096xf32, #tpu.memory_space<vmem>>, vector<64x4096xf32>
      %dot_general3A_21 = arith.constant dense<0.000000e+00> : vector<4096x64xf32>
      %dot_general3A_22 = tpu.matmul %get3A_20, %get3A_1, %dot_general3A_21 {dimension_numbers = #tpu.dot_dimension_numbers<[0], [0], [1], [1], [0, 1, 1, 1], [], []>, transpose_lhs_hint = false} : vector<64x4096xf32>, vector<64x64xf32>, vector<4096x64xf32> -> vector<4096x64xf32>
      %add3A_23 = vector.broadcast %get3A_4 : vector<1x64xf32> to vector<4096x64xf32>
      %add3A_24 = arith.addf %dot_general3A_22, %add3A_23 : vector<4096x64xf32>
      %swap3A_25 = arith.constant 0 : index
      %swap3A_26 = arith.constant 64 : index
      %swap3A_27 = vector.load %arg6[%swap3A_25, %swap3A_26] : memref<4096x128xf32, #tpu.memory_space<vmem>>, vector<4096x64xf32>
      tpu.vector_store %arg6[%swap3A_25, %swap3A_26], %add3A_24 {strides = array<i32>} : memref<4096x128xf32, #tpu.memory_space<vmem>>, vector<4096x64xf32>,
    } else {
    }
    %eq3A = arith.constant 122 : i32
    %eq3A_7 = arith.cmpi eq, %arg0, %eq3A : i32
    %convert_element_type3A_8 = arith.extui %eq3A_7 : i1 to i32
    %cond3A_9 = arith.constant 0 : i32
    %cond3A_10 = arith.cmpi ne, %convert_element_type3A_8, %cond3A_9 : i32
    scf.if %cond3A_10 {
      %get3A_11 = arith.constant 0 : index
      %get3A_12 = arith.constant 0 : index
      %get3A_13 = vector.load %arg3[%get3A_11, %get3A_12] : memref<576x64xf32, #tpu.memory_space<vmem>>, vector<576x64xf32>
      %dot_general3A = arith.constant dense<0.000000e+00> : vector<576x64xf32>
      %dot_general3A_14 = tpu.matmul %get3A_13, %get3A_1, %dot_general3A {dimension_numbers = #tpu.dot_dimension_numbers<[1], [0], [0], [1], [0, 0, 1, 1], [], []>, transpose_lhs_hint = false} : vector<576x64xf32>, vector<64x64xf32>, vector<576x64xf32> -> vector<576x64xf32>
      %add3A = vector.broadcast %get3A_4 : vector<1x64xf32> to vector<576x64xf32>
      %add3A_15 = arith.addf %dot_general3A_14, %add3A : vector<576x64xf32>
      %slice3A = vector.extract_strided_slice %add3A_15 {offsets = [0, 0], sizes = [288, 64], strides = [1, 1]} : vector<576x64xf32> to vector<288x64xf32>
      %swap3A = arith.constant 0 : index
      %swap3A_16 = arith.constant 0 : index
      %swap3A_17 = vector.load %arg6[%swap3A, %swap3A_16] : memref<4096x128xf32, #tpu.memory_space<vmem>>, vector<288x64xf32>
      tpu.vector_store %arg6[%swap3A, %swap3A_16], %slice3A {strides = array<i32>} : memref<4096x128xf32, #tpu.memory_space<vmem>>, vector<288x64xf32>,
      %slice3A_18 = vector.extract_strided_slice %add3A_15 {offsets = [288, 0], sizes = [288, 64], strides = [1, 1]} : vector<576x64xf32> to vector<288x64xf32>
      %swap3A_19 = arith.constant 0 : index
      %swap3A_20 = arith.constant 64 : index
      %swap3A_21 = vector.load %arg6[%swap3A_19, %swap3A_20] : memref<4096x128xf32, #tpu.memory_space<vmem>>, vector<288x64xf32>
      tpu.vector_store %arg6[%swap3A_19, %swap3A_20], %slice3A_18 {strides = array<i32>} : memref<4096x128xf32, #tpu.memory_space<vmem>>, vector<288x64xf32>,
    } else {
    }
    return
  }
  func.func @transform_0(%arg0: i32) -> (i32, i32) {
    %mul3A = arith.constant 2 : i32
    %mul3A_0 = arith.muli %mul3A, %arg0 : i32
    %min3A = arith.constant 243 : i32
    %min3A_1 = arith.minsi %mul3A_0, %min3A : i32
    %c0_i32 = arith.constant 0 : i32
    %c0_i32_2 = arith.constant 0 : i32
    return %c0_i32, %min3A_1 : i32, i32
  }
  func.func @transform_1(%arg0: i32) -> (i32, i32) {
    %mul3A = arith.constant 2 : i32
    %mul3A_0 = arith.muli %mul3A, %arg0 : i32
    %add3A = arith.constant 1 : i32
    %add3A_1 = arith.addi %mul3A_0, %add3A : i32
    %min3A = arith.constant 243 : i32
    %min3A_2 = arith.minsi %add3A_1, %min3A : i32
    %c0_i32 = arith.constant 0 : i32
    %c0_i32_3 = arith.constant 0 : i32
    return %c0_i32, %min3A_2 : i32, i32
  }
  func.func @transform_2(%arg0: i32) -> (i32, i32) {
    %c0_i32 = arith.constant 0 : i32
    %c0_i32_0 = arith.constant 0 : i32
    %c0_i32_1 = arith.constant 0 : i32
    return %c0_i32, %c0_i32_0 : i32, i32
  }
  func.func @transform_3(%arg0: i32) -> (i32, i32) {
    %c0_i32 = arith.constant 0 : i32
    %c0_i32_0 = arith.constant 0 : i32
    %c0_i32_1 = arith.constant 0 : i32
    return %c0_i32, %c0_i32_0 : i32, i32
  }
  func.func @transform_4(%arg0: i32) -> (i32, i32) {
    %c0_i32 = arith.constant 0 : i32
    %c0_i32_0 = arith.constant 0 : i32
    %c0_i32_1 = arith.constant 0 : i32
    return %c0_i32, %c0_i32_0 : i32, i32
  }
  func.func @transform_5(%arg0: i32) -> (i32, i32) {
    %c0_i32 = arith.constant 0 : i32
    %c0_i32_0 = arith.constant 0 : i32
    return %arg0, %c0_i32 : i32, i32
  }
}

module attributes {stable_mosaic.version = 14 : i64} {
  func.func @_emit_body(%arg0: i32, %arg1: memref<4096x128xf32, #tpu.memory_space<vmem>>, %arg2: memref<64x8192xf32, #tpu.memory_space<vmem>>) attributes {dimension_semantics = [#tpu.dimension_semantics<arbitrary>], iteration_bounds = array<i64: 123>, scalar_prefetch = 0 : i64, scratch_operands = 0 : i64, tpu.core_type = #tpu.core_type<tc>, window_params = [{transform_indices = @transform_0, window_bounds = array<i64: 4096, 128>}, {transform_indices = @transform_1, window_bounds = array<i64: 64, 8192>}]} {
    %lt3A = arith.constant 122 : i32
    %lt3A_0 = arith.cmpi slt, %arg0, %lt3A : i32
    %convert_element_type3A = arith.extui %lt3A_0 : i1 to i32
    %cond3A = arith.constant 0 : i32
    %cond3A_1 = arith.cmpi ne, %convert_element_type3A, %cond3A : i32
    scf.if %cond3A_1 {
      %get3A = arith.constant 0 : index
      %get3A_6 = arith.constant 0 : index
      %get3A_7 = vector.load %arg1[%get3A, %get3A_6] : memref<4096x128xf32, #tpu.memory_space<vmem>>, vector<4096x128xf32>
      %iota3A = tpu.iota {dimensions = array<i32: 0>} : vector<64x64xi32>
      %iota3A_8 = tpu.iota {dimensions = array<i32: 1>} : vector<64x64xi32>
      %add3A = arith.constant 0 : i32
      %add3A_9 = vector.broadcast %add3A : i32 to vector<64x64xi32>
      %add3A_10 = arith.addi %iota3A, %add3A_9 : vector<64x64xi32>
      %eq3A_11 = arith.cmpi eq, %add3A_10, %iota3A_8 : vector<64x64xi32>
      %convert_element_type3A_12 = arith.extui %eq3A_11 : vector<64x64xi1> to vector<64x64xi32>
      %convert_element_type3A_13 = arith.sitofp %convert_element_type3A_12 : vector<64x64xi32> to vector<64x64xf32>
      %slice3A = vector.extract_strided_slice %get3A_7 {offsets = [0, 0], sizes = [4096, 64], strides = [1, 1]} : vector<4096x128xf32> to vector<4096x64xf32>
      %dot_general3A = arith.constant dense<0.000000e+00> : vector<64x4096xf32>
      %dot_general3A_14 = tpu.matmul %convert_element_type3A_13, %slice3A, %dot_general3A {dimension_numbers = #tpu.dot_dimension_numbers<[1], [1], [0], [0], [0, 0, 1, 0], [], []>, transpose_lhs_hint = false} : vector<64x64xf32>, vector<4096x64xf32>, vector<64x4096xf32> -> vector<64x4096xf32>
      %slice3A_15 = vector.extract_strided_slice %get3A_7 {offsets = [0, 64], sizes = [4096, 64], strides = [1, 1]} : vector<4096x128xf32> to vector<4096x64xf32>
      %dot_general3A_16 = arith.constant dense<0.000000e+00> : vector<64x4096xf32>
      %dot_general3A_17 = tpu.matmul %convert_element_type3A_13, %slice3A_15, %dot_general3A_16 {dimension_numbers = #tpu.dot_dimension_numbers<[1], [1], [0], [0], [0, 0, 1, 0], [], []>, transpose_lhs_hint = false} : vector<64x64xf32>, vector<4096x64xf32>, vector<64x4096xf32> -> vector<64x4096xf32>
      %swap3A = arith.constant 0 : index
      %swap3A_18 = arith.constant 0 : index
      %swap3A_19 = vector.load %arg2[%swap3A, %swap3A_18] : memref<64x8192xf32, #tpu.memory_space<vmem>>, vector<64x4096xf32>
      tpu.vector_store %arg2[%swap3A, %swap3A_18], %dot_general3A_14 {strides = array<i32>} : memref<64x8192xf32, #tpu.memory_space<vmem>>, vector<64x4096xf32>,
      %swap3A_20 = arith.constant 0 : index
      %swap3A_21 = arith.constant 4096 : index
      %swap3A_22 = vector.load %arg2[%swap3A_20, %swap3A_21] : memref<64x8192xf32, #tpu.memory_space<vmem>>, vector<64x4096xf32>
      tpu.vector_store %arg2[%swap3A_20, %swap3A_21], %dot_general3A_17 {strides = array<i32>} : memref<64x8192xf32, #tpu.memory_space<vmem>>, vector<64x4096xf32>,
    } else {
    }
    %eq3A = arith.constant 122 : i32
    %eq3A_2 = arith.cmpi eq, %arg0, %eq3A : i32
    %convert_element_type3A_3 = arith.extui %eq3A_2 : i1 to i32
    %cond3A_4 = arith.constant 0 : i32
    %cond3A_5 = arith.cmpi ne, %convert_element_type3A_3, %cond3A_4 : i32
    scf.if %cond3A_5 {
      %get3A = arith.constant 0 : index
      %get3A_6 = arith.constant 0 : index
      %get3A_7 = vector.load %arg1[%get3A, %get3A_6] : memref<4096x128xf32, #tpu.memory_space<vmem>>, vector<4096x128xf32>
      %iota3A = tpu.iota {dimensions = array<i32: 0>} : vector<64x64xi32>
      %iota3A_8 = tpu.iota {dimensions = array<i32: 1>} : vector<64x64xi32>
      %add3A = arith.constant 0 : i32
      %add3A_9 = vector.broadcast %add3A : i32 to vector<64x64xi32>
      %add3A_10 = arith.addi %iota3A, %add3A_9 : vector<64x64xi32>
      %eq3A_11 = arith.cmpi eq, %add3A_10, %iota3A_8 : vector<64x64xi32>
      %convert_element_type3A_12 = arith.extui %eq3A_11 : vector<64x64xi1> to vector<64x64xi32>
      %convert_element_type3A_13 = arith.sitofp %convert_element_type3A_12 : vector<64x64xi32> to vector<64x64xf32>
      %slice3A = vector.extract_strided_slice %get3A_7 {offsets = [0, 0], sizes = [4096, 64], strides = [1, 1]} : vector<4096x128xf32> to vector<4096x64xf32>
      %dot_general3A = arith.constant dense<0.000000e+00> : vector<64x4096xf32>
      %dot_general3A_14 = tpu.matmul %convert_element_type3A_13, %slice3A, %dot_general3A {dimension_numbers = #tpu.dot_dimension_numbers<[1], [1], [0], [0], [0, 0, 1, 0], [], []>, transpose_lhs_hint = false} : vector<64x64xf32>, vector<4096x64xf32>, vector<64x4096xf32> -> vector<64x4096xf32>
      %slice3A_15 = vector.extract_strided_slice %get3A_7 {offsets = [0, 64], sizes = [4096, 64], strides = [1, 1]} : vector<4096x128xf32> to vector<4096x64xf32>
      %dot_general3A_16 = arith.constant dense<0.000000e+00> : vector<64x4096xf32>
      %dot_general3A_17 = tpu.matmul %convert_element_type3A_13, %slice3A_15, %dot_general3A_16 {dimension_numbers = #tpu.dot_dimension_numbers<[1], [1], [0], [0], [0, 0, 1, 0], [], []>, transpose_lhs_hint = false} : vector<64x64xf32>, vector<4096x64xf32>, vector<64x4096xf32> -> vector<64x4096xf32>
      %slice3A_18 = vector.extract_strided_slice %dot_general3A_14 {offsets = [0, 0], sizes = [64, 288], strides = [1, 1]} : vector<64x4096xf32> to vector<64x288xf32>
      %swap3A = arith.constant 0 : index
      %swap3A_19 = arith.constant 0 : index
      %swap3A_20 = vector.load %arg2[%swap3A, %swap3A_19] : memref<64x8192xf32, #tpu.memory_space<vmem>>, vector<64x288xf32>
      tpu.vector_store %arg2[%swap3A, %swap3A_19], %slice3A_18 {strides = array<i32>} : memref<64x8192xf32, #tpu.memory_space<vmem>>, vector<64x288xf32>,
      %slice3A_21 = vector.extract_strided_slice %dot_general3A_17 {offsets = [0, 0], sizes = [64, 288], strides = [1, 1]} : vector<64x4096xf32> to vector<64x288xf32>
      %swap3A_22 = arith.constant 0 : index
      %swap3A_23 = arith.constant 288 : index
      %swap3A_24 = vector.load %arg2[%swap3A_22, %swap3A_23] : memref<64x8192xf32, #tpu.memory_space<vmem>>, vector<64x288xf32>
      tpu.vector_store %arg2[%swap3A_22, %swap3A_23], %slice3A_21 {strides = array<i32>} : memref<64x8192xf32, #tpu.memory_space<vmem>>, vector<64x288xf32>,
    } else {
    }
    return
  }
  func.func @transform_0(%arg0: i32) -> (i32, i32) {
    %c0_i32 = arith.constant 0 : i32
    %c0_i32_0 = arith.constant 0 : i32
    return %arg0, %c0_i32 : i32, i32
  }
  func.func @transform_1(%arg0: i32) -> (i32, i32) {
    %c0_i32 = arith.constant 0 : i32
    %c0_i32_0 = arith.constant 0 : i32
    return %c0_i32, %arg0 : i32, i32
  }
}

</mosaic_0001>

<sc_bundles>
// kernel: kernel.5.cloned.1.call-start
scs
__scs_entry_jumppad:
0x0: {  	(pc) =	sbr.rel $0x88, $3  }
0x1: {  	(tag) =	ssettag $0x0;
	lr =	simm.s32 $0x1  }
0x2: {  	[smem:$0x3F9D] =	sst lr;
	_ =	strace $0xD0000000  }
0x3: {  	_ = 	snop  }
0x4: {  	_ = 	snop  }
0x5: {  	_ = 	snop  }
0x6: {  	_ = 	snop  }
0x7: {  	_ = 	snop  }
__scs_overlays_trampoline_lowered:
0x8: {  	[smem:$0x3FAC] =	sst s0  }
0x9: {  	[smem:$0x3FAD] =	sst s1  }
0xa: {  	[smem:$0x3FAE] =	sst s2  }
0xb: {  	[smem:$0x3FAF] =	sst s3  }
0xc: {  	[smem:$0x3FB0] =	sst s4  }
0xd: {  	[smem:$0x3FB1] =	sst s5  }
0xe: {  	[smem:$0x3FB2] =	sst s6  }
0xf: {  	[smem:$0x3FB3] =	sst s7  }
0x10: {  	[smem:$0x3FB4] =	sst s8  }
0x11: {  	[smem:$0x3FB5] =	sst s9;
	s0 =	simm.s32 @!p0 $0x0  }
0x12: {  	s1 =	sld [smem:$0x3F9B];
	s0 =	simm.s32 @p0 $0x1  }
0x13: {  	[smem:$0x3FB6] =	sst s0;
	s0 =	simm.s32 @!p1 $0x0  }
0x14: {  	s2 =	sld [smem:$0x3F9A];
	s0 =	simm.s32 @p1 $0x1  }
0x15: {  	[smem:$0x3FB7] =	sst s0;
	s0 =	simm.s32 @!p2 $0x0  }
0x16: {  	s3 =	sld [smem:$0x3FDB];
	s0 =	simm.s32 @p2 $0x1  }
0x17: {  	s4 =	simm.s32 $0x1BF5;
	[smem:$0x3FB9] =	sst s0  }
0x18: {  	s0 =	sld [smem:$0x3F9C];
	_ =	swait.ge [sflag:s4], $0x0  }
0x19: {  	s7 =	sld [smem:$0x3F9D]  }
0x1a: {  	s8 =	sadd.s32 $0xFFFFE003, lr  }
0x1b: {  	s9 =	sadd.s32 $0xFFFFFEF7, lr;
	s5 =	simm.s32 $0xFFFFFFFF;
	p2 =	slt.u32 s8, $0xFFFFF086  }
0x1c: {  	p1 =	slt.u32 s9, $0xF7A;
	s5 =	simm.s32 @!p2 $0x0  }
0x1d: {  	s5 =	simm.s32 @p1 $0x1;
	p0 =	seq.s32 s7, s2  }
0x1e: {  	s7 =	smul.u32 @!p0 $0xF7A, s2;
	p2 =	seq.s32 @!p0 s5, $0x0  }
0x1f: {  	s9 =	smul.u32 $0xF7A, s1;
	s8 =	simm.s32 @!p0 $0x1BF5;
	p2 =	por !p2, p0  }
0x20: {  	[sflag:s8] =	ssyncset.s32 @!p0 $0xFFFFF086;
	s6 =	sadd.s32 @!p0 s3, s7;
	s7 =	simm.s32 @!p0 $0x108  }
0x21: {  	s3 =	sadd.s32 s3, s9;
	s6 =	sadd.s32 @!p0 $0x88, s6;
	s7 =	simm.s32 @p2 $0x1082  }
0x22: {  	[simem:s7], [sflag:s8] =	dma.local @!p0 [hbm:s6], $0xF7A  }
0x23: {  	s9 =	sor.u32 $0xD0000000, s2;
	s6 =	simm.s32 $0x108;
	_ =	swait.ge @!p0 [sflag:s8], $0x0  }
0x24: {  	s3 =	sadd.s32 $0x88, s3;
	s6 =	simm.s32 @!p1 $0x1082;
	[sflag:s4] =	ssyncset.s32 $0xFFFFF086  }
0x25: {  	[simem:s6], [sflag:s4] =	dma.local [hbm:s3], $0xF7A  }
0x26: {  	[smem:$0x3F9D] =	sst s1;
	(tag) =	ssettag s2;
	_ =	strace s9  }
0x27: {  	s1 =	sld [smem:$0x3FAD]  }
0x28: {  	s2 =	sld [smem:$0x3FAE]  }
0x29: {  	s4 =	sld [smem:$0x3FB0]  }
0x2a: {  	p0 =	seq.s32 s5, $0x0;
	s5 =	sld [smem:$0x3FB1]  }
0x2b: {  	s6 =	sld [smem:$0x3FB2]  }
0x2c: {  	s7 =	sld [smem:$0x3FB3]  }
0x2d: {  	s3 =	simm.s32 $0x108;
	s8 =	sld [smem:$0x3FB4]  }
0x2e: {  	s3 =	simm.s32 @!p0 $0x1082;
	s9 =	sld [smem:$0x3FB5]  }
0x2f: {  	lr =	sadd.s32 s0, s3;
	s0 =	sld [smem:$0x3FAC]  }
0x30: {  	s3 =	sld [smem:$0x3FAF]  }
0x31: {  	[smem:$0x3FB8] =	sst s10  }
0x32: {  	s10 =	sld [smem:$0x3FB6];
	_ =	sdelay $0x3  }
0x33: {  	p0 =	seq.s32 s10, $0x1;
	s10 =	sld [smem:$0x3FB8];
	_ =	sdelay $0x3  }
0x34: {  	[smem:$0x3FB8] =	sst s10  }
0x35: {  	s10 =	sld [smem:$0x3FB7];
	_ =	sdelay $0x3  }
0x36: {  	p1 =	seq.s32 s10, $0x1;
	s10 =	sld [smem:$0x3FB8];
	_ =	sdelay $0x3  }
0x37: {  	[smem:$0x3FB8] =	sst s10  }
0x38: {  	s10 =	sld [smem:$0x3FB9]  }
0x39: {  	_ = 	snop;
	(pc) =	sbr.ind lr, $3  }
0x3a: {  	_ = 	snop  }
0x3b: {  	_ = 	snop  }
0x3c: {  	p2 =	seq.s32 s10, $0x1;
	s10 =	sld [smem:$0x3FB8]  }
0x3d: {  	_ =	shalt  }
0x3e: {  	_ =	shalt  }
0x3f: {  	_ =	shalt  }
0x40: {  	_ =	shalt  }
0x41: {  	_ =	shalt  }
0x42: {  	_ =	shalt  }
0x43: {  	_ =	shalt  }
0x44: {  	_ =	shalt  }
0x45: {  	_ =	shalt  }
0x46: {  	_ =	shalt  }
0x47: {  	_ =	shalt  }
0x48: {  	_ =	shalt  }
0x49: {  	_ =	shalt  }
0x4a: {  	_ =	shalt  }
0x4b: {  	_ =	shalt  }
0x4c: {  	_ =	shalt  }
0x4d: {  	_ =	shalt  }
0x4e: {  	_ =	shalt  }
0x4f: {  	_ =	shalt  }
0x50: {  	_ =	shalt  }
0x51: {  	_ =	shalt  }
0x52: {  	_ =	shalt  }
0x53: {  	_ =	shalt  }
0x54: {  	_ =	shalt  }
0x55: {  	_ =	shalt  }
0x56: {  	_ =	shalt  }
0x57: {  	_ =	shalt  }
0x58: {  	_ =	shalt  }
0x59: {  	_ =	shalt  }
0x5a: {  	_ =	shalt  }
0x5b: {  	_ =	shalt  }
0x5c: {  	_ =	shalt  }
0x5d: {  	_ =	shalt  }
0x5e: {  	_ =	shalt  }
0x5f: {  	_ =	shalt  }
0x60: {  	_ =	shalt  }
0x61: {  	_ =	shalt  }
0x62: {  	_ =	shalt  }
0x63: {  	_ =	shalt  }
0x64: {  	_ =	shalt  }
0x65: {  	_ =	shalt  }
0x66: {  	_ =	shalt  }
0x67: {  	_ =	shalt  }
0x68: {  	_ =	shalt  }
0x69: {  	_ =	shalt  }
0x6a: {  	_ =	shalt  }
0x6b: {  	_ =	shalt  }
0x6c: {  	_ =	shalt  }
0x6d: {  	_ =	shalt  }
0x6e: {  	_ =	shalt  }
0x6f: {  	_ =	shalt  }
0x70: {  	_ =	shalt  }
0x71: {  	_ =	shalt  }
0x72: {  	_ =	shalt  }
0x73: {  	_ =	shalt  }
0x74: {  	_ =	shalt  }
0x75: {  	_ =	shalt  }
0x76: {  	_ =	shalt  }
0x77: {  	_ =	shalt  }
0x78: {  	_ =	shalt  }
0x79: {  	_ =	shalt  }
0x7a: {  	_ =	shalt  }
0x7b: {  	_ =	shalt  }
0x7c: {  	_ =	shalt  }
0x7d: {  	_ =	shalt  }
0x7e: {  	_ =	shalt  }
0x7f: {  	_ =	shalt  }
0x80: {  	_ =	shalt  }
0x81: {  	_ =	shalt  }
0x82: {  	_ =	shalt  }
0x83: {  	_ =	shalt  }
0x84: {  	_ =	shalt  }
0x85: {  	_ =	shalt  }
0x86: {  	_ =	shalt  }
0x87: {  	_ =	shalt  }
.Lfunc_end0:
.L_simem_size_0:
called_computation_lowered:
.L_overlay_start_0:
0x88: {  	s2 =	sld [smem:$0x3FD9]  }
0x89: {  	s3 =	sld [smem:$0x3FFE];
	_ =	sdelay $0x1  }
0x8a: {  	s1 =	srdreg.scid  }
0x8b: {  	s0 =	sand.u32 $0x1, s1  }
0x8c: {  	s17 =	sshll.u32 s0, $0xA;
	s2 =	sadd.s32 s3, s2  }
0x8d: {  	s2 =	sadd.s32 s2, s17  }
0x8e: {  	[smem:$0x3FC4] =	sst s2  }
0x8f: {  	_ = 	snop  }
0x90: {  	s2 =	sld [smem:$0x3FD0];
	(tm) =	ssettm $0x1  }
0x91: {  	s18 =	sld [smem:$0x3FFB];
	_ =	sdelay $0x3  }
0x92: {  	_ =	strace s18  }
0x93: {  	s3 =	sld [smem:$0x3FFC];
	_ =	sdelay $0x3  }
0x94: {  	_ =	strace s3  }
0x95: {  	s3 =	sld [smem:$0x3FFD];
	_ =	sdelay $0x3  }
0x96: {  	_ =	strace s3  }
0x97: {  	_ =	strace $0x8FFFFFFF  }
0x98: {  	s19 =	sld [smem:$0x3FDB];
	_ =	sdelay $0x1  }
0x99: {  	s4 =	simm.s32 $_scs_section_size  }
0x9a: {  	s5 =	simm.s32 $_size__tile_overlayer_lowered;
	s6 =	simm.s32 $_tile_overlayer_lowered  }
0x9b: {  	s22 =	simm.s32 $0x1BFF;
	s21 =	sshll.u32 s6, $0x1;
	s3 =	sadd.s32 s4, s19  }
0x9c: {  	s7 =	simm.s32 $0x0;
	s20 =	sshll.u32 s5, $0x1;
	s5 =	sadd.s32 s21, s3  }
0x9d: {  	[timem:s7], [sflag:s22] =	dma.local [hbm:s5], s20  }
0x9e: {  	_ =	swait.ge [sflag:s22], s20  }
0x9f: {  	s4 =	ssub.s32 $0x0, s20;
	[sflag:s22] =	ssyncset.done $0x0  }
0xa0: {  	[sflag:s22] =	ssyncadd.s32 s4;
	_ =	sdelay $0x1  }
0xa1: {  	s23 =	simm.s32 $0x1B8B  }
0xa2: {  	_ =	swait.ge [sflag:s23], $0x1  }
0xa3: {  	[sflag:s23] =	ssyncset.done $0x0  }
0xa4: {  	s25 =	simm.s32 $0x1B8E;
	s24 =	sld [smem:$0x3FFE];
	[sflag:s23] =	ssyncadd.s32 $0xFFFFFFFF  }
0xa5: {  	s26 =	simm.s32 $execute0_lowered;
	[smem:$0x3FD2] =	sst s25  }
0xa6: {  	s5 =	sshll.u32 s26, $0x1;
	_ =	strace $0x80000046;
	[dreg:$0x1] =	wrdreg $0xFFFFFFFF  }
0xa7: {  	s28 =	simm.s32 $_size_execute0_lowered;
	s3 =	sadd.s32 s3, s5;
	[dreg:$0x0] =	wrdreg $0x0  }
0xa8: {  	s5 =	sshll.u32 s28, $0x1;
	[dreg:$0x2] =	wrdreg s3  }
0xa9: {  	[dreg:$0x3] =	wrdreg s5  }
0xaa: {  	[dreg:$0x4] =	wrdreg $0xC0  }
0xab: {  	_ =	task [dreg:s7], $0x5FFFF  }
0xac: {  	[dreg:$0x1] =	wrdreg $0xFFFFFFFF  }
0xad: {  	[dreg:$0x0] =	wrdreg $0x60  }
0xae: {  	[dreg:$0x2] =	wrdreg s2  }
0xaf: {  	[dreg:$0x3] =	wrdreg s24  }
0xb0: {  	[dreg:$0x4] =	wrdreg $0x9  }
0xb1: {  	_ =	task.clear_ibuf [dreg:s7], $0x5FFFF;
	_ =	strace $0x90000046  }
0xb2: {  	s29 =	simm.s32 $0x9;
	_ =	strace $0x80000048  }
0xb3: {  	_ =	swait.ge [sflag:s29], $0x1  }
0xb4: {  	[sflag:s29] =	ssyncadd.s32 $0xFFFFFFFF  }
0xb5: {  	_ =	strace $0x90000048  }
0xb6: {  	_ =	sfence  }
0xb7: {  	s30 =	sld [smem:$0x0];
	_ =	sdelay $0x2  }
0xb8: {  	s31 =	sshll.u32 s1, $0xD;
	s1 =	sshrl.u32 s1, $0x2  }
0xb9: {  	s3 =	sand.u32 $0x4000, s31;
	s1 =	sadd.s32 s1, s30  }
0xba: {  	s0 =	sor.u32 s3, s0;
	s1 =	sshll.u32 s1, $0x11  }
0xbb: {  	s0 =	sor.u32 s1, s0  }
0xbc: {  	s0 =	sadd.s32 $0x8F2B, s0  }
0xbd: {  	[sflag:s0] =	ssyncadd.remote.s32 $0x1  }
0xbe: {  	_ =	sfence.sel $0xFFFF  }
0xbf: {  	[dreg:$0x0] =	wrdreg $0xFFFFFFFF;
	(pc) =	sbr.abs _section_cstart, $3  }
0xc0: {  	[dreg:$0x1] =	wrdreg $0xFFFFFFFF  }
0xc1: {  	_ =	task.clear_ibuf [dreg:s7], $0x2FFFF;
	_ =	strace $0x9FFFFFFF  }
0xc2: {  	(tm) =	ssettm $0x7FFFFFFF  }
0xc3: {  	_ =	shalt  }
tec
execute0_lowered:
.L_overlay_start_1:
0x0: {  	(tag) =	ssettag $0x1  }
0x1: {  	s0 =	srdreg.scid  }
0x2: {  	s8 =	stileid.u32;
	s2 =	rddreg [dreg:$0x0]  }
0x3: {  	s4 =	rddreg [dreg:$0x1];
	s3 =	simm.s32 $0x0;
	s18 =	simm.s32 $0x7D  }
0x4: {  	s28 =	simm.s32 $0xFA00;
	s29 =	simm.s32 $0x1;
	s30 =	simm.s32 $0x11940  }
0x5: {  	s31 =	simm.s32 $0x2;
	s17 =	simm.s32 $0x8;
	s5 =	smul.u32 $0xF424, s8  }
0x6: {  	s9 =	simm.s32 $0x0;
	s0 =	sand.u32 $0x1, s0;
	s20 =	smul.u32 $0x7A120, s8  }
0x7: {  	s1 =	sshll.u32 s8, $0x1;
	[smem:$0x7FF] =	sst s3;
	s7 =	smul.u32 $0x7A12, s0  }
0x8: {  	s1 =	sor.u32 s0, s1;
	s6 =	ssub.s32 $0x2, s0;
	s0 =	smul.u32 $0x3D090, s0  }
0x9: {  	_ =	strace $0x80000047;
	s1 =	smul.u32 $0xFA0, s1;
	s19 =	sshrl.u32 s6, $0x1  }
0xa: {  	s5 =	sadd.s32 s7, s5;
	s0 =	sadd.s32 s0, s20;
	s20 =	simm.s32 $0x157C0  }
0xb: {  	s1 =	sadd.s32 s1, s4;
	s4 =	sadd.s32 $0x22600, s4;
	s21 =	sshll.u32 s5, $0x3  }
0xc: {  	[dreg:$0xa] =	wrdreg s0;
	s0 =	simm.s32 $0x3;
	s5 =	simm.s32 $0x6  }
0xd: {  	[dreg:$0x3] =	wrdreg s4;
	s4 =	ssub.s32 s6, s19;
	s1 =	sadd.s32 $0x3200, s1  }
0xe: {  	s22 =	sadd.s32 $0xFA0, s21;
	s23 =	sadd.s32 $0xBB8, s21;
	s24 =	sadd.s32 $0x7D0, s21  }
0xf: {  	s25 =	sadd.s32 $0x3E8, s21;
	s26 =	sadd.s32 $0x2328, s21;
	[dreg:$0x4] =	wrdreg s1  }
0x10: {  	s13 =	sadd.s32 $0x1F40, s21;
	s14 =	sadd.s32 $0x1B58, s21;
	[dreg:$0x6] =	wrdreg s22  }
0x11: {  	s15 =	sadd.s32 $0x1770, s21;
	s16 =	sadd.s32 $0x1388, s21;
	[dreg:$0x7] =	wrdreg s23  }
.Ltmp0:
0x12: {  	s6 =	simm.s32 $0x7;
	[dreg:$0x8] =	wrdreg s24;
	(pc) =	sbr.rel .LBB2_1-.Ltmp0, $4  }
0x13: {  	s19 =	simm.s32 $0x9;
	s21 =	simm.s32 $0xA;
	[dreg:$0x9] =	wrdreg s25  }
0x14: {  	s4 =	smax.u32 s4, $0x1;
	[dreg:$0xb] =	wrdreg s26;
	s1 =	simm.s32 $0x13880  }
0x15: {  	s22 =	simm.s32 $0x4;
	s24 =	simm.s32 $0x17700;
	s26 =	simm.s32 $0x5  }
0x16: {  	s23 =	simm.s32 $0xF;
	[dreg:$0x5] =	wrdreg s4;
	s4 =	simm.s32 $0x19640  }
.LBB2_4:
0x17: {  	s7 =	simm.s32 $0xB  }
0x18: {  	_ =	swait.ge [sflag:s7], $0x1F40  }
0x19: {  	[sflag:s7] =	ssyncset.done $0x0  }
0x1a: {  	s12 =	simm.s32 $0xC;
	[sflag:s7] =	ssyncadd.s32 $0xFFFFE0C0  }
0x1b: {  	_ =	swait.ge [sflag:s12], $0x1F40  }
0x1c: {  	[sflag:s12] =	ssyncset.done $0x0  }
0x1d: {  	s25 =	simm.s32 $0xD;
	[sflag:s12] =	ssyncadd.s32 $0xFFFFE0C0  }
0x1e: {  	_ =	swait.ge [sflag:s25], $0x1F40  }
0x1f: {  	[sflag:s25] =	ssyncset.done $0x0  }
0x20: {  	s8 =	simm.s32 $0xE;
	[sflag:s25] =	ssyncadd.s32 $0xFFFFE0C0  }
0x21: {  	_ =	swait.ge [sflag:s8], $0x1F40  }
0x22: {  	[sflag:s8] =	ssyncset.done $0x0  }
0x23: {  	[sflag:s8] =	ssyncadd.s32 $0xFFFFE0C0  }
0x24: {  	_ =	swait.ge [sflag:s23], $0x1F40  }
0x25: {  	[sflag:s23] =	ssyncset.done $0x0  }
0x26: {  	s9 =	simm.s32 $0x10;
	[sflag:s23] =	ssyncadd.s32 $0xFFFFE0C0  }
0x27: {  	_ =	swait.ge [sflag:s9], $0x1F40  }
0x28: {  	[sflag:s9] =	ssyncset.done $0x0  }
0x29: {  	s10 =	simm.s32 $0x11;
	[sflag:s9] =	ssyncadd.s32 $0xFFFFE0C0  }
0x2a: {  	_ =	swait.ge [sflag:s10], $0x1F40  }
0x2b: {  	[sflag:s10] =	ssyncset.done $0x0  }
0x2c: {  	s11 =	simm.s32 $0x12;
	[sflag:s10] =	ssyncadd.s32 $0xFFFFE0C0  }
0x2d: {  	_ =	swait.ge [sflag:s11], $0x1F40  }
0x2e: {  	[sflag:s11] =	ssyncset.done $0x0  }
0x2f: {  	s12 =	simm.s32 $0x13;
	[sflag:s11] =	ssyncadd.s32 $0xFFFFE0C0  }
0x30: {  	_ =	swait.ge [sflag:s12], $0x1F40  }
0x31: {  	[sflag:s12] =	ssyncset.done $0x0  }
0x32: {  	s8 =	simm.s32 $0x14;
	[sflag:s12] =	ssyncadd.s32 $0xFFFFE0C0  }
0x33: {  	_ =	swait.ge [sflag:s8], $0x1F40  }
0x34: {  	s9 =	rddreg [dreg:$0xc]  }
0x35: {  	s25 =	rddreg [dreg:$0x5];
	s9 =	sadd.s32 $0x1, s9  }
0x36: {  	p0 =	sne.s32 s9, s25  }
.Ltmp1:
0x37: {  	_ = 	snop;
	(pc) =	sbr.rel @!p0 .LBB2_5-.Ltmp1, $3  }
0x38: {  	_ =	sdelay $0x1  }
0x39: {  	[sflag:s8] =	ssyncset.done $0x0  }
0x3a: {  	[sflag:s8] =	ssyncadd.s32 $0xFFFFE0C0  }
.LBB2_1:
0x3b: {  	[dreg:$0xc] =	wrdreg s9  }
0x3c: {  	s7 =	rddreg [dreg:$0x4];
	s11 =	simm.s32 $0x15  }
0x3d: {  	[tilespmem:s3], [sflag:$0x15] =	stream.linear.gather [hbm4b:s7+s3], $0x7D00, $0x38;
	[tilespmem:$0x1B580] =	vst v63  }
0x3e: {  	_ =	swait.ge [sflag:s11], $0x7D00  }
0x3f: {  	[sflag:s11] =	ssyncset.done $0x0  }
0x40: {  	s12 =	simm.s32 $0x7D00;
	[sflag:s11] =	ssyncadd.s32 $0xFFFF8300  }
0x41: {  	[tilespmem:s12], [sflag:$0x1] =	stream.indirect.gather [hbm4b:s2+s18], $0x40, s3, s18, $0xb8;
	[tilespmem:$0x1B580] =	vst v63  }
0x42: {  	s25 =	simm.s32 $0x80;
	s8 =	simm.s32 $0x9C40  }
0x43: {  	[tilespmem:s8], [sflag:$0x2] =	stream.indirect.gather [hbm4b:s2+s18], $0x40, s25, s18, $0xb8;
	[tilespmem:$0x1B580] =	vst v63  }
0x44: {  	s9 =	simm.s32 $0x100;
	s10 =	simm.s32 $0xBB80  }
0x45: {  	[tilespmem:s10], [sflag:$0x3] =	stream.indirect.gather [hbm4b:s2+s18], $0x40, s9, s18, $0xb8;
	[tilespmem:$0x1B580] =	vst v63  }
0x46: {  	s11 =	simm.s32 $0x180;
	s12 =	simm.s32 $0xDAC0  }
0x47: {  	[tilespmem:s12], [sflag:$0x4] =	stream.indirect.gather [hbm4b:s2+s18], $0x40, s11, s18, $0xb8;
	[tilespmem:$0x1B580] =	vst v63  }
0x48: {  	s25 =	simm.s32 $0x200  }
0x49: {  	[tilespmem:s28], [sflag:$0x5] =	stream.indirect.gather [hbm4b:s2+s18], $0x40, s25, s18, $0xb8;
	[tilespmem:$0x1B580] =	vst v63  }
0x4a: {  	s7 =	simm.s32 $0x0;
	s25 =	rddreg [dreg:$0x3]  }
.LBB2_2:
0x4b: {  	_ =	swait.ge [sflag:s29], $0x1F40  }
0x4c: {  	s9 =	simm.s32 $0x7D00;
	[sflag:s29] =	ssyncset.done $0x0;
	s8 =	rddreg [dreg:$0xa]  }
0x4d: {  	p0 =	seq.s32 s7, $0x0;
	[sflag:s29] =	ssyncadd.s32 $0xFFFFE0C0;
	s8 =	sadd.s32 s25, s8  }
0x4e: {  	[hbm4b:s8+s3] =	stream.linear.scatter [tilespmem:s9], [sflag:$0xB], $0x1F40, $0x38;
	[tilespmem:$0x1B580] =	vst v63  }
0x4f: {  	s9 =	simm.s32 @!p0 $0x10  }
0x50: {  	_ =	swait.ge @!p0 [sflag:s9], $0x1F40  }
0x51: {  	s8 =	sshra.s32 s7, $0x2;
	[sflag:s9] =	ssyncset.done @!p0 $0x0  }
0x52: {  	s11 =	sadd.s32 $0x280, s8;
	[sflag:s9] =	ssyncadd.s32 @!p0 $0xFFFFE0C0  }
0x53: {  	[tilespmem:s30], [sflag:$0x6] =	stream.indirect.gather [hbm4b:s2+s18], $0x40, s11, s18, $0xb8;
	[tilespmem:$0x1B580] =	vst v63  }
0x54: {  	_ =	swait.ge [sflag:s31], $0x1F40  }
0x55: {  	[sflag:s31] =	ssyncset.done $0x0;
	s12 =	rddreg [dreg:$0x9]  }
0x56: {  	s10 =	simm.s32 $0x9C40;
	[sflag:s31] =	ssyncadd.s32 $0xFFFFE0C0;
	s9 =	sadd.s32 s25, s12  }
0x57: {  	[hbm4b:s9+s3] =	stream.linear.scatter [tilespmem:s10], [sflag:$0xC], $0x1F40, $0x38;
	[tilespmem:$0x1B580] =	vst v63  }
0x58: {  	s9 =	simm.s32 @!p0 $0x11  }
0x59: {  	_ =	swait.ge @!p0 [sflag:s9], $0x1F40  }
0x5a: {  	[sflag:s9] =	ssyncset.done @!p0 $0x0  }
0x5b: {  	s10 =	sadd.s32 $0x300, s8;
	[sflag:s9] =	ssyncadd.s32 @!p0 $0xFFFFE0C0  }
0x5c: {  	[tilespmem:s1], [sflag:$0x7] =	stream.indirect.gather [hbm4b:s2+s18], $0x40, s10, s18, $0xb8;
	[tilespmem:$0x1B580] =	vst v63  }
0x5d: {  	_ =	swait.ge [sflag:s0], $0x1F40  }
0x5e: {  	[sflag:s0] =	ssyncset.done $0x0;
	s11 =	rddreg [dreg:$0x8]  }
0x5f: {  	s12 =	simm.s32 $0xBB80;
	[sflag:s0] =	ssyncadd.s32 $0xFFFFE0C0;
	s9 =	sadd.s32 s25, s11  }
0x60: {  	[hbm4b:s9+s3] =	stream.linear.scatter [tilespmem:s12], [sflag:$0xD], $0x1F40, $0x38;
	[tilespmem:$0x1B580] =	vst v63  }
0x61: {  	s9 =	simm.s32 @!p0 $0x12  }
0x62: {  	_ =	swait.ge @!p0 [sflag:s9], $0x1F40  }
0x63: {  	[sflag:s9] =	ssyncset.done @!p0 $0x0  }
0x64: {  	s10 =	sadd.s32 $0x380, s8;
	[sflag:s9] =	ssyncadd.s32 @!p0 $0xFFFFE0C0  }
0x65: {  	[tilespmem:s20], [sflag:$0x8] =	stream.indirect.gather [hbm4b:s2+s18], $0x40, s10, s18, $0xb8;
	[tilespmem:$0x1B580] =	vst v63  }
0x66: {  	_ =	swait.ge [sflag:s22], $0x1F40  }
0x67: {  	[sflag:s22] =	ssyncset.done $0x0;
	s11 =	rddreg [dreg:$0x7]  }
0x68: {  	s12 =	simm.s32 $0xDAC0;
	[sflag:s22] =	ssyncadd.s32 $0xFFFFE0C0;
	s9 =	sadd.s32 s25, s11  }
0x69: {  	[hbm4b:s9+s3] =	stream.linear.scatter [tilespmem:s12], [sflag:$0xE], $0x1F40, $0x38;
	[tilespmem:$0x1B580] =	vst v63  }
0x6a: {  	s9 =	simm.s32 @!p0 $0x13  }
0x6b: {  	_ =	swait.ge @!p0 [sflag:s9], $0x1F40  }
0x6c: {  	[sflag:s9] =	ssyncset.done @!p0 $0x0  }
0x6d: {  	s11 =	sadd.s32 $0x400, s8;
	[sflag:s9] =	ssyncadd.s32 @!p0 $0xFFFFE0C0  }
0x6e: {  	[tilespmem:s24], [sflag:$0x9] =	stream.indirect.gather [hbm4b:s2+s18], $0x40, s11, s18, $0xb8;
	[tilespmem:$0x1B580] =	vst v63  }
0x6f: {  	_ =	swait.ge [sflag:s26], $0x1F40  }
0x70: {  	[sflag:s26] =	ssyncset.done $0x0;
	s12 =	rddreg [dreg:$0x6]  }
0x71: {  	[sflag:s26] =	ssyncadd.s32 $0xFFFFE0C0;
	s9 =	sadd.s32 s25, s12  }
0x72: {  	[hbm4b:s9+s3] =	stream.linear.scatter [tilespmem:s28], [sflag:$0xF], $0x1F40, $0x38;
	[tilespmem:$0x1B580] =	vst v63  }
0x73: {  	s9 =	simm.s32 @!p0 $0x14  }
0x74: {  	_ =	swait.ge @!p0 [sflag:s9], $0x1F40  }
0x75: {  	[sflag:s9] =	ssyncset.done @!p0 $0x0  }
0x76: {  	s10 =	sadd.s32 $0x480, s8;
	[sflag:s9] =	ssyncadd.s32 @!p0 $0xFFFFE0C0  }
0x77: {  	[tilespmem:s4], [sflag:$0xA] =	stream.indirect.gather [hbm4b:s2+s18], $0x40, s10, s18, $0xb8;
	[tilespmem:$0x1B580] =	vst v63  }
0x78: {  	_ =	swait.ge [sflag:s5], $0x1F40  }
0x79: {  	p0 =	seq.s32 s7, $0x1E000;
	[sflag:s5] =	ssyncset.done $0x0  }
0x7a: {  	s11 =	sadd.s32 s25, s16;
	s9 =	simm.s32 @!p0 $0xB;
	[sflag:s5] =	ssyncadd.s32 $0xFFFFE0C0  }
0x7b: {  	[hbm4b:s11+s3] =	stream.linear.scatter [tilespmem:s30], [sflag:$0x10], $0x1F40, $0x38;
	[tilespmem:$0x1B580] =	vst v63  }
0x7c: {  	_ =	swait.ge @!p0 [sflag:s9], $0x1F40  }
0x7d: {  	[sflag:s9] =	ssyncset.done @!p0 $0x0  }
0x7e: {  	[sflag:s9] =	ssyncadd.s32 @!p0 $0xFFFFE0C0;
	s9 =	sshra.s32 @!p0 s7, $0x2  }
0x7f: {  	s12 =	simm.s32 @!p0 $0x7D00;
	s11 =	simm.s32 @!p0 $0x7D;
	s10 =	sadd.s32 @!p0 $0x500, s9  }
0x80: {  	[tilespmem:s12], [sflag:$0x1] =	stream.indirect.gather @!p0 [hbm4b:s2+s11], $0x40, s10, s11, $0xb8;
	[tilespmem:$0x1B580] =	vst v63  }
0x81: {  	_ =	swait.ge [sflag:s6], $0x1F40  }
0x82: {  	[sflag:s6] =	ssyncset.done $0x0  }
0x83: {  	s12 =	sadd.s32 s25, s15;
	s10 =	simm.s32 @!p0 $0xC;
	[sflag:s6] =	ssyncadd.s32 $0xFFFFE0C0  }
0x84: {  	[hbm4b:s12+s3] =	stream.linear.scatter [tilespmem:s1], [sflag:$0x11], $0x1F40, $0x38;
	[tilespmem:$0x1B580] =	vst v63  }
0x85: {  	_ =	swait.ge @!p0 [sflag:s10], $0x1F40  }
0x86: {  	[sflag:s10] =	ssyncset.done @!p0 $0x0  }
0x87: {  	s12 =	simm.s32 @!p0 $0x9C40;
	[sflag:s10] =	ssyncadd.s32 @!p0 $0xFFFFE0C0;
	s10 =	sadd.s32 @!p0 $0x580, s9  }
0x88: {  	[tilespmem:s12], [sflag:$0x2] =	stream.indirect.gather @!p0 [hbm4b:s2+s11], $0x40, s10, s11, $0xb8;
	[tilespmem:$0x1B580] =	vst v63  }
0x89: {  	_ =	swait.ge [sflag:s17], $0x1F40  }
0x8a: {  	[sflag:s17] =	ssyncset.done $0x0  }
0x8b: {  	s12 =	sadd.s32 s25, s14;
	s10 =	simm.s32 @!p0 $0xD;
	[sflag:s17] =	ssyncadd.s32 $0xFFFFE0C0  }
0x8c: {  	[hbm4b:s12+s3] =	stream.linear.scatter [tilespmem:s20], [sflag:$0x12], $0x1F40, $0x38;
	[tilespmem:$0x1B580] =	vst v63  }
0x8d: {  	_ =	swait.ge @!p0 [sflag:s10], $0x1F40  }
0x8e: {  	[sflag:s10] =	ssyncset.done @!p0 $0x0  }
0x8f: {  	s12 =	simm.s32 @!p0 $0xBB80;
	[sflag:s10] =	ssyncadd.s32 @!p0 $0xFFFFE0C0;
	s10 =	sadd.s32 @!p0 $0x600, s9  }
0x90: {  	[tilespmem:s12], [sflag:$0x3] =	stream.indirect.gather @!p0 [hbm4b:s2+s11], $0x40, s10, s11, $0xb8;
	[tilespmem:$0x1B580] =	vst v63  }
0x91: {  	_ =	swait.ge [sflag:s19], $0x1F40  }
0x92: {  	[sflag:s19] =	ssyncset.done $0x0  }
0x93: {  	s12 =	sadd.s32 s25, s13;
	s10 =	simm.s32 @!p0 $0xE;
	[sflag:s19] =	ssyncadd.s32 $0xFFFFE0C0  }
0x94: {  	[hbm4b:s12+s3] =	stream.linear.scatter [tilespmem:s24], [sflag:$0x13], $0x1F40, $0x38;
	[tilespmem:$0x1B580] =	vst v63  }
0x95: {  	_ =	swait.ge @!p0 [sflag:s10], $0x1F40  }
0x96: {  	[sflag:s10] =	ssyncset.done @!p0 $0x0  }
0x97: {  	s9 =	sadd.s32 @!p0 $0x680, s9;
	[sflag:s10] =	ssyncadd.s32 @!p0 $0xFFFFE0C0;
	s10 =	simm.s32 @!p0 $0xDAC0  }
0x98: {  	[tilespmem:s10], [sflag:$0x4] =	stream.indirect.gather @!p0 [hbm4b:s2+s11], $0x40, s9, s11, $0xb8;
	[tilespmem:$0x1B580] =	vst v63  }
.Ltmp2:
0x99: {  	_ = 	snop;
	(pc) =	sbr.rel @p0 .LBB2_4-.Ltmp2, $4  }
0x9a: {  	_ =	swait.ge [sflag:s21], $0x1F40  }
0x9b: {  	[sflag:s21] =	ssyncset.done $0x0;
	s12 =	rddreg [dreg:$0xb]  }
0x9c: {  	[sflag:s21] =	ssyncadd.s32 $0xFFFFE0C0;
	s9 =	sadd.s32 s25, s12  }
0x9d: {  	[hbm4b:s9+s3] =	stream.linear.scatter [tilespmem:s4], [sflag:$0x14], $0x1F40, $0x38;
	[tilespmem:$0x1B580] =	vst v63  }
.Ltmp3:
0x9e: {  	(pc) =	sbr.rel .LBB2_2-.Ltmp3, $4  }
0x9f: {  	_ =	swait.ge [sflag:s23], $0x1F40  }
0xa0: {  	s8 =	sadd.s32 $0x700, s8;
	[sflag:s23] =	ssyncset.done $0x0  }
0xa1: {  	s7 =	sadd.s32 $0x1400, s7;
	s25 =	sadd.s32 $0x2710, s25;
	[sflag:s23] =	ssyncadd.s32 $0xFFFFE0C0  }
0xa2: {  	[tilespmem:s28], [sflag:$0x5] =	stream.indirect.gather [hbm4b:s2+s18], $0x40, s8, s18, $0xb8;
	[tilespmem:$0x1B580] =	vst v63  }
.LBB2_5:
0xa3: {  	_ =	sfence.sel $0x180000  }
0xa4: {  	[bflag:$0x0] =	sbarrier.arrive $0xFFFF  }
0xa5: {  	_ =	strace $0x90000047  }
0xa6: {  	s0 =	stileid.u32;
	[bflag:$0x2] =	sbarrier.arrive $0xFFFF  }
0xa7: {  	p0 =	sne.s32 s0, $0x0;
	s0 =	rddreg [dreg:$0x2]  }
0xa8: {  	s0 =	sadd.s32 @!p0 $0x100000, s0  }
0xa9: {  	[sflag:s0] =	ssyncadd.tile.s32 @!p0 $0x1;
	_ =	shalt  }
.Lfunc_end2:
_tile_overlayer_lowered:
.L_overlay_start_2:
0xaa: {  	(tag) =	ssettag $0x2  }
0xab: {  	s0 =	rddreg [dreg:$0x0];
	s2 =	stileid.u32  }
0xac: {  	s1 =	rddreg [dreg:$0x1];
	p0 =	sne.s32 s2, $0x0  }
0xad: {  	s3 =	rddreg [dreg:$0x2];
	[bflag:$0x3] =	sbarrier.arrive $0xFFFF;
	s2 =	simm.s32 @!p0 $0x1C15  }
0xae: {  	[timem:s3], [sflag:s2] =	dma.local @!p0 [hbm:s0], s1  }
0xaf: {  	s0 =	simm.s32 @!p0 $0x15  }
0xb0: {  	_ =	swait.ge @!p0 [sflag:s0], s1  }
0xb1: {  	s1 =	ssub.s32 @!p0 $0x0, s1;
	[sflag:s0] =	ssyncset.done @!p0 $0x0  }
0xb2: {  	[sflag:s0] =	ssyncadd.s32 @!p0 s1  }
0xb3: {  	[bflag:$0x3] =	sbarrier.arrive $0xFFFF  }
0xb4: {  	_ =	shalt  }

</sc_bundles>
